<compile_context>
chip_gen: v7x
topology: tpu7x:2x2x1
jax: 0.10.2.dev20260603
libtpu: 0.0.44.dev20260713+nightly
codegen_flags: <defaults>
</compile_context>

<pallas_src>
import functools
import math

import jax
import jax.numpy as jnp
from jax import lax
from jax.experimental import pallas as pl
from jax.experimental.pallas import tpu as pltpu
from jax.experimental.pallas import tpu_sc as plsc

_NC = 2
_NS = 16
_NW = _NC * _NS
_LANES = 16


def _pos_encoding(seq_len, d_embed):
    pos = jnp.arange(seq_len, dtype=jnp.float32)
    denom = jnp.exp(
        -jnp.arange(0, d_embed, 2, dtype=jnp.float32) * math.log(10000.0) / d_embed
    )
    phase = pos[:, None] * denom[None, :]
    enc = jnp.zeros((seq_len, d_embed), dtype=jnp.float32)
    enc = enc.at[:, 0::2].set(jnp.sin(phase))
    enc = enc.at[:, 1::2].set(jnp.cos(phase))
    return enc


def _make_sc_embed(B, T, D, idx_cols):
    N = B * T
    rows_w = N // _NW
    seqs_mega = 4
    rows_mega = seqs_mega * T
    megas_w = rows_w // rows_mega
    idx_rows_w = rows_w // idx_cols
    idx_rows_mega = rows_mega // idx_cols
    ipseq = idx_rows_mega // seqs_mega
    batches_w = rows_w // T
    scale = float(math.sqrt(D))
    mesh = plsc.VectorSubcoreMesh(core_axis_name="c", subcore_axis_name="s")

    @functools.partial(
        pl.kernel,
        out_type=jax.ShapeDtypeStruct((B, T, 2 * D), jnp.float32),
        mesh=mesh,
        compiler_params=pltpu.CompilerParams(use_tc_tiling_on_sc=False),
        scratch_types=[
            pltpu.VMEM((idx_rows_w, idx_cols), jnp.int32),
            pltpu.VMEM((2, seqs_mega, T, D), jnp.float32),
            pltpu.VMEM((T, D), jnp.float32),
            pltpu.SemaphoreType.DMA,
            pltpu.SemaphoreType.DMA,
            pltpu.SemaphoreType.DMA,
        ],
    )
    def k(idx_hbm, table_hbm, pe_hbm, out_hbm,
          idx_v, rows_v, pe_v, sem_g0, sem_g1, sem_o):
        wid = lax.axis_index("s") * _NC + lax.axis_index("c")
        pltpu.sync_copy(pe_hbm, pe_v)
        pltpu.sync_copy(idx_hbm.at[pl.ds(wid * idx_rows_w, idx_rows_w)], idx_v)

        def gathers(g, b):
            sem_b = sem_g0 if b == 0 else sem_g1
            return [
                pltpu.make_async_copy(
                    table_hbm.at[idx_v.at[g * idx_rows_mega + j]],
                    rows_v.at[b, j // ipseq,
                              pl.ds((j % ipseq) * idx_cols, idx_cols)],
                    sem_b,
                )
                for j in range(idx_rows_mega)
            ]

        def out_slice(g):
            b0 = wid * batches_w + g * seqs_mega
            return out_hbm.at[pl.ds(b0, seqs_mega), :, pl.ds(0, D)]

        for cp in gathers(0, 0):
            cp.start()

        def pair_body(p, carry):
            for b in range(2):
                g = 2 * p + b

                @pl.when(g >= 1)
                def _drain_prev_store():
                    pltpu.make_async_copy(
                        rows_v.at[1 - b], out_slice(g - 1), sem_o).wait()

                @pl.when(g + 1 < megas_w)
                def _fire_next_gathers():
                    for cp in gathers(g + 1, 1 - b):
                        cp.start()

                for cp in gathers(g, b):
                    cp.wait()

                def row_body(r, carry2):
                    for j in range(D // _LANES):
                        sl = pl.ds(j * _LANES, _LANES)
                        pe_j = pe_v[r, sl]
                        for s in range(seqs_mega):
                            rows_v[b, s, r, sl] = (
                                rows_v[b, s, r, sl] * scale + pe_j
                            )
                    return carry2

                lax.fori_loop(0, T, row_body, 0)
                pltpu.make_async_copy(rows_v.at[b], out_slice(g),
                                      sem_o).start()
            return carry

        lax.fori_loop(0, megas_w // 2, pair_body, 0)
        pltpu.make_async_copy(
            rows_v.at[(megas_w - 1) % 2], out_slice(megas_w - 1), sem_o
        ).wait()

    return k


def kernel(indices, embed_weight):
    B, T = indices.shape
    V, D = embed_weight.shape
    N = B * T
    idx_cols = 100
    pe = _pos_encoding(T, D)
    idx2d = indices.reshape(N // idx_cols, idx_cols)
    wide = _make_sc_embed(B, T, D, idx_cols)(idx2d, embed_weight, pe)
    return wide[:, :, :D]

# --- scband reference (transcript-rebuilt; emitter-appended) ---
"""Pipeline reference for scband-embedding-44994077393031 (READ-ONLY COPY).

The authoritative reference and input builder live on the scoring server;
editing this copy changes nothing except your own understanding.
"""

import jax, jax.numpy as jnp
import numpy as np
import math

VOCAB = 1000000
D_EMBED = 64
MAX_LEN = 5000
PADDING_IDX = 0


def _positional_encoding(seq_len, d_embed):
    pos = jnp.arange(MAX_LEN, dtype=jnp.float32)
    denom = jnp.exp(-jnp.arange(0, d_embed, 2, dtype=jnp.float32) * math.log(10000.0) / d_embed)
    phase = pos[:, None] * denom[None, :]
    enc = jnp.zeros((MAX_LEN, d_embed), dtype=jnp.float32)
    enc = enc.at[:, 0::2].set(jnp.sin(phase))
    enc = enc.at[:, 1::2].set(jnp.cos(phase))
    return enc[:seq_len]


def setup_inputs(seed: int = 0) -> dict:
    key = jax.random.key(seed)
    k1, k2 = jax.random.split(key)
    indices = jax.random.randint(k1, (1024, 200), 0, VOCAB, dtype=jnp.int32)
    # nn.Embedding weight init: uniform(-0.1, 0.1), padding_idx row zeroed
    embed_weight = jax.random.uniform(k2, (VOCAB, D_EMBED), minval=-0.1, maxval=0.1, dtype=jnp.float32)
    embed_weight = embed_weight.at[PADDING_IDX].set(0.0)
    return {"indices": indices, "embed_weight": embed_weight}


def reference(indices, embed_weight):
    d = embed_weight.shape[1]
    # token embedding lookup scaled by sqrt(d_embed)
    src = jnp.take(embed_weight, indices, axis=0) * jnp.float32(math.sqrt(d))
    # add precomputed sinusoidal positional encoding (dropout: eval mode -> identity)
    pe = _positional_encoding(indices.shape[1], d)
    return src + pe[None, :, :]

if __name__ == "__main__":
    import jax
    _d = setup_inputs()
    print(jax.jit(kernel)(*tuple(_d.values())))

</pallas_src>

<mosaic_0001>
#map = affine_map<(d0, d1) -> (0, 0)>
#map1 = affine_map<(d0, d1) -> (0, 0, 0)>
module attributes {stable_mosaic.version = 14 : i64} {
  func.func @k(%arg0: i32, %arg1: i32, %arg2: memref<2048x100xi32, #tpu.memory_space<hbm>>, %arg3: memref<1000000x64xf32, #tpu.memory_space<hbm>>, %arg4: memref<200x64xf32, #tpu.memory_space<hbm>>, %arg5: memref<1024x200x128xf32, #tpu.memory_space<hbm>>, %arg6: memref<64x100xi32, #tpu.memory_space<vmem>>, %arg7: memref<2x4x200x64xf32, #tpu.memory_space<vmem>>, %arg8: memref<200x64xf32, #tpu.memory_space<vmem>>, %arg9: memref<!tpu.dma_semaphore, #tpu.memory_space<semaphore_mem>>, %arg10: memref<!tpu.dma_semaphore, #tpu.memory_space<semaphore_mem>>, %arg11: memref<!tpu.dma_semaphore, #tpu.memory_space<semaphore_mem>>) attributes {dimension_semantics = [#tpu.dimension_semantics<core_parallel>, #tpu.dimension_semantics<subcore_parallel>], iteration_bounds = array<i64: 2, 16>, scalar_prefetch = 0 : i64, scratch_operands = 6 : i64, tpu.core_type = #tpu.core_type<sc_vector_subcore>, window_params = [{transform_indices = #map}, {transform_indices = #map}, {transform_indices = #map}, {transform_indices = #map1}]} {
    %mul3A = arith.constant 2 : i32
    %mul3A_0 = arith.muli %arg1, %mul3A : i32
    %add3A = arith.addi %mul3A_0, %arg0 : i32
    "tpu.region"() ({
      %run_scoped3A = tpu.sem_alloc : memref<!tpu.dma_semaphore, #tpu.memory_space<semaphore_mem>>
      tpu.enqueue_dma source(%arg4 : memref<200x64xf32, #tpu.memory_space<hbm>>) target(%arg8 : memref<200x64xf32, #tpu.memory_space<vmem>>) target_semaphore(%run_scoped3A : memref<!tpu.dma_semaphore, #tpu.memory_space<semaphore_mem>>)
      tpu.wait_dma2 semaphore(%run_scoped3A : memref<!tpu.dma_semaphore, #tpu.memory_space<semaphore_mem>>) src(%arg4 : memref<200x64xf32, #tpu.memory_space<hbm>>) dst(%arg8 : memref<200x64xf32, #tpu.memory_space<vmem>>)
      tpu.yield
    }) : () -> ()
    %mul3A_1 = arith.constant 64 : i32
    %mul3A_2 = arith.muli %add3A, %mul3A_1 : i32
    "tpu.region"() ({
      %run_scoped3A = tpu.sem_alloc : memref<!tpu.dma_semaphore, #tpu.memory_space<semaphore_mem>>
      %dma_start3A_131 = arith.constant 0 : i32
      %dma_start3A_132 = tpu.memref_slice %arg2[%mul3A_2, %dma_start3A_131] : memref<2048x100xi32, #tpu.memory_space<hbm>> -> memref<64x100xi32, #tpu.memory_space<hbm>>
      %dma_start3A_133 = arith.constant 0 : i32
      %dma_start3A_134 = tpu.memref_slice %arg2[%mul3A_2, %dma_start3A_133] : memref<2048x100xi32, #tpu.memory_space<hbm>> -> memref<64x100xi32, #tpu.memory_space<hbm>>
      tpu.enqueue_dma source(%dma_start3A_134 : memref<64x100xi32, #tpu.memory_space<hbm>>) target(%arg6 : memref<64x100xi32, #tpu.memory_space<vmem>>) target_semaphore(%run_scoped3A : memref<!tpu.dma_semaphore, #tpu.memory_space<semaphore_mem>>)
      %dma_wait3A_135 = arith.constant 0 : i32
      %dma_wait3A_136 = tpu.memref_slice %arg2[%mul3A_2, %dma_wait3A_135] : memref<2048x100xi32, #tpu.memory_space<hbm>> -> memref<64x100xi32, #tpu.memory_space<hbm>>
      %dma_wait3A_137 = arith.constant 0 : i32
      %dma_wait3A_138 = tpu.memref_slice %arg2[%mul3A_2, %dma_wait3A_137] : memref<2048x100xi32, #tpu.memory_space<hbm>> -> memref<64x100xi32, #tpu.memory_space<hbm>>
      tpu.wait_dma2 semaphore(%run_scoped3A : memref<!tpu.dma_semaphore, #tpu.memory_space<semaphore_mem>>) src(%dma_wait3A_138 : memref<64x100xi32, #tpu.memory_space<hbm>>) dst(%arg6 : memref<64x100xi32, #tpu.memory_space<vmem>>)
      tpu.yield
    }) : () -> ()
    %dma_start3A = arith.constant 0 : i32
    %dma_start3A_3 = arith.constant 0 : i32
    %dma_start3A_4 = arith.constant 0 : i32
    %dma_start3A_5 = arith.constant 0 : i32
    %dma_start3A_6 = arith.constant 0 : i32
    %dma_start3A_7 = tpu.memref_slice %arg7[%dma_start3A_3, %dma_start3A_4, %dma_start3A_5, %dma_start3A_6] : memref<2x4x200x64xf32, #tpu.memory_space<vmem>> -> memref<1x1x100x64xf32, #tpu.memory_space<vmem>>
    %dma_start3A_8 = tpu.memref_squeeze %dma_start3A_7 : memref<1x1x100x64xf32, #tpu.memory_space<vmem>> -> memref<100x64xf32, #tpu.memory_space<vmem>>
    %dma_start3A_9 = arith.constant 0 : i32
    %dma_start3A_10 = tpu.memref_slice %arg6[%dma_start3A, %dma_start3A_9] : memref<64x100xi32, #tpu.memory_space<vmem>> -> memref<1x100xi32, #tpu.memory_space<vmem>>
    %dma_start3A_11 = tpu.memref_squeeze %dma_start3A_10 : memref<1x100xi32, #tpu.memory_space<vmem>> -> memref<100xi32, #tpu.memory_space<vmem>>
    %dma_start3A_12 = arith.constant 0 : i32
    %dma_start3A_13 = arith.constant 0 : i32
    %dma_start3A_14 = tpu.memref_slice %arg3[%dma_start3A_12, %dma_start3A_13] : memref<1000000x64xf32, #tpu.memory_space<hbm>> -> memref<1000000x64xf32, #tpu.memory_space<hbm>>
    tpu.enqueue_indirect_dma source(%dma_start3A_14 : memref<1000000x64xf32, #tpu.memory_space<hbm>>) target(%dma_start3A_8 : memref<100x64xf32, #tpu.memory_space<vmem>>) offsets(%dma_start3A_11 : memref<100xi32, #tpu.memory_space<vmem>>) semaphore(%arg9 : memref<!tpu.dma_semaphore, #tpu.memory_space<semaphore_mem>>)
    %dma_start3A_15 = arith.constant 1 : i32
    %dma_start3A_16 = arith.constant 0 : i32
    %dma_start3A_17 = arith.constant 0 : i32
    %dma_start3A_18 = arith.constant 100 : i32
    %dma_start3A_19 = arith.constant 0 : i32
    %dma_start3A_20 = tpu.memref_slice %arg7[%dma_start3A_16, %dma_start3A_17, %dma_start3A_18, %dma_start3A_19] : memref<2x4x200x64xf32, #tpu.memory_space<vmem>> -> memref<1x1x100x64xf32, #tpu.memory_space<vmem>>
    %dma_start3A_21 = tpu.memref_squeeze %dma_start3A_20 : memref<1x1x100x64xf32, #tpu.memory_space<vmem>> -> memref<100x64xf32, #tpu.memory_space<vmem>>
    %dma_start3A_22 = arith.constant 0 : i32
    %dma_start3A_23 = tpu.memref_slice %arg6[%dma_start3A_15, %dma_start3A_22] : memref<64x100xi32, #tpu.memory_space<vmem>> -> memref<1x100xi32, #tpu.memory_space<vmem>>
    %dma_start3A_24 = tpu.memref_squeeze %dma_start3A_23 : memref<1x100xi32, #tpu.memory_space<vmem>> -> memref<100xi32, #tpu.memory_space<vmem>>
    %dma_start3A_25 = arith.constant 0 : i32
    %dma_start3A_26 = arith.constant 0 : i32
    %dma_start3A_27 = tpu.memref_slice %arg3[%dma_start3A_25, %dma_start3A_26] : memref<1000000x64xf32, #tpu.memory_space<hbm>> -> memref<1000000x64xf32, #tpu.memory_space<hbm>>
    tpu.enqueue_indirect_dma source(%dma_start3A_27 : memref<1000000x64xf32, #tpu.memory_space<hbm>>) target(%dma_start3A_21 : memref<100x64xf32, #tpu.memory_space<vmem>>) offsets(%dma_start3A_24 : memref<100xi32, #tpu.memory_space<vmem>>) semaphore(%arg9 : memref<!tpu.dma_semaphore, #tpu.memory_space<semaphore_mem>>)
    %dma_start3A_28 = arith.constant 2 : i32
    %dma_start3A_29 = arith.constant 0 : i32
    %dma_start3A_30 = arith.constant 1 : i32
    %dma_start3A_31 = arith.constant 0 : i32
    %dma_start3A_32 = arith.constant 0 : i32
    %dma_start3A_33 = tpu.memref_slice %arg7[%dma_start3A_29, %dma_start3A_30, %dma_start3A_31, %dma_start3A_32] : memref<2x4x200x64xf32, #tpu.memory_space<vmem>> -> memref<1x1x100x64xf32, #tpu.memory_space<vmem>>
    %dma_start3A_34 = tpu.memref_squeeze %dma_start3A_33 : memref<1x1x100x64xf32, #tpu.memory_space<vmem>> -> memref<100x64xf32, #tpu.memory_space<vmem>>
    %dma_start3A_35 = arith.constant 0 : i32
    %dma_start3A_36 = tpu.memref_slice %arg6[%dma_start3A_28, %dma_start3A_35] : memref<64x100xi32, #tpu.memory_space<vmem>> -> memref<1x100xi32, #tpu.memory_space<vmem>>
    %dma_start3A_37 = tpu.memref_squeeze %dma_start3A_36 : memref<1x100xi32, #tpu.memory_space<vmem>> -> memref<100xi32, #tpu.memory_space<vmem>>
    %dma_start3A_38 = arith.constant 0 : i32
    %dma_start3A_39 = arith.constant 0 : i32
    %dma_start3A_40 = tpu.memref_slice %arg3[%dma_start3A_38, %dma_start3A_39] : memref<1000000x64xf32, #tpu.memory_space<hbm>> -> memref<1000000x64xf32, #tpu.memory_space<hbm>>
    tpu.enqueue_indirect_dma source(%dma_start3A_40 : memref<1000000x64xf32, #tpu.memory_space<hbm>>) target(%dma_start3A_34 : memref<100x64xf32, #tpu.memory_space<vmem>>) offsets(%dma_start3A_37 : memref<100xi32, #tpu.memory_space<vmem>>) semaphore(%arg9 : memref<!tpu.dma_semaphore, #tpu.memory_space<semaphore_mem>>)
    %dma_start3A_41 = arith.constant 3 : i32
    %dma_start3A_42 = arith.constant 0 : i32
    %dma_start3A_43 = arith.constant 1 : i32
    %dma_start3A_44 = arith.constant 100 : i32
    %dma_start3A_45 = arith.constant 0 : i32
    %dma_start3A_46 = tpu.memref_slice %arg7[%dma_start3A_42, %dma_start3A_43, %dma_start3A_44, %dma_start3A_45] : memref<2x4x200x64xf32, #tpu.memory_space<vmem>> -> memref<1x1x100x64xf32, #tpu.memory_space<vmem>>
    %dma_start3A_47 = tpu.memref_squeeze %dma_start3A_46 : memref<1x1x100x64xf32, #tpu.memory_space<vmem>> -> memref<100x64xf32, #tpu.memory_space<vmem>>
    %dma_start3A_48 = arith.constant 0 : i32
    %dma_start3A_49 = tpu.memref_slice %arg6[%dma_start3A_41, %dma_start3A_48] : memref<64x100xi32, #tpu.memory_space<vmem>> -> memref<1x100xi32, #tpu.memory_space<vmem>>
    %dma_start3A_50 = tpu.memref_squeeze %dma_start3A_49 : memref<1x100xi32, #tpu.memory_space<vmem>> -> memref<100xi32, #tpu.memory_space<vmem>>
    %dma_start3A_51 = arith.constant 0 : i32
    %dma_start3A_52 = arith.constant 0 : i32
    %dma_start3A_53 = tpu.memref_slice %arg3[%dma_start3A_51, %dma_start3A_52] : memref<1000000x64xf32, #tpu.memory_space<hbm>> -> memref<1000000x64xf32, #tpu.memory_space<hbm>>
    tpu.enqueue_indirect_dma source(%dma_start3A_53 : memref<1000000x64xf32, #tpu.memory_space<hbm>>) target(%dma_start3A_47 : memref<100x64xf32, #tpu.memory_space<vmem>>) offsets(%dma_start3A_50 : memref<100xi32, #tpu.memory_space<vmem>>) semaphore(%arg9 : memref<!tpu.dma_semaphore, #tpu.memory_space<semaphore_mem>>)
    %dma_start3A_54 = arith.constant 4 : i32
    %dma_start3A_55 = arith.constant 0 : i32
    %dma_start3A_56 = arith.constant 2 : i32
    %dma_start3A_57 = arith.constant 0 : i32
    %dma_start3A_58 = arith.constant 0 : i32
    %dma_start3A_59 = tpu.memref_slice %arg7[%dma_start3A_55, %dma_start3A_56, %dma_start3A_57, %dma_start3A_58] : memref<2x4x200x64xf32, #tpu.memory_space<vmem>> -> memref<1x1x100x64xf32, #tpu.memory_space<vmem>>
    %dma_start3A_60 = tpu.memref_squeeze %dma_start3A_59 : memref<1x1x100x64xf32, #tpu.memory_space<vmem>> -> memref<100x64xf32, #tpu.memory_space<vmem>>
    %dma_start3A_61 = arith.constant 0 : i32
    %dma_start3A_62 = tpu.memref_slice %arg6[%dma_start3A_54, %dma_start3A_61] : memref<64x100xi32, #tpu.memory_space<vmem>> -> memref<1x100xi32, #tpu.memory_space<vmem>>
    %dma_start3A_63 = tpu.memref_squeeze %dma_start3A_62 : memref<1x100xi32, #tpu.memory_space<vmem>> -> memref<100xi32, #tpu.memory_space<vmem>>
    %dma_start3A_64 = arith.constant 0 : i32
    %dma_start3A_65 = arith.constant 0 : i32
    %dma_start3A_66 = tpu.memref_slice %arg3[%dma_start3A_64, %dma_start3A_65] : memref<1000000x64xf32, #tpu.memory_space<hbm>> -> memref<1000000x64xf32, #tpu.memory_space<hbm>>
    tpu.enqueue_indirect_dma source(%dma_start3A_66 : memref<1000000x64xf32, #tpu.memory_space<hbm>>) target(%dma_start3A_60 : memref<100x64xf32, #tpu.memory_space<vmem>>) offsets(%dma_start3A_63 : memref<100xi32, #tpu.memory_space<vmem>>) semaphore(%arg9 : memref<!tpu.dma_semaphore, #tpu.memory_space<semaphore_mem>>)
    %dma_start3A_67 = arith.constant 5 : i32
    %dma_start3A_68 = arith.constant 0 : i32
    %dma_start3A_69 = arith.constant 2 : i32
    %dma_start3A_70 = arith.constant 100 : i32
    %dma_start3A_71 = arith.constant 0 : i32
    %dma_start3A_72 = tpu.memref_slice %arg7[%dma_start3A_68, %dma_start3A_69, %dma_start3A_70, %dma_start3A_71] : memref<2x4x200x64xf32, #tpu.memory_space<vmem>> -> memref<1x1x100x64xf32, #tpu.memory_space<vmem>>
    %dma_start3A_73 = tpu.memref_squeeze %dma_start3A_72 : memref<1x1x100x64xf32, #tpu.memory_space<vmem>> -> memref<100x64xf32, #tpu.memory_space<vmem>>
    %dma_start3A_74 = arith.constant 0 : i32
    %dma_start3A_75 = tpu.memref_slice %arg6[%dma_start3A_67, %dma_start3A_74] : memref<64x100xi32, #tpu.memory_space<vmem>> -> memref<1x100xi32, #tpu.memory_space<vmem>>
    %dma_start3A_76 = tpu.memref_squeeze %dma_start3A_75 : memref<1x100xi32, #tpu.memory_space<vmem>> -> memref<100xi32, #tpu.memory_space<vmem>>
    %dma_start3A_77 = arith.constant 0 : i32
    %dma_start3A_78 = arith.constant 0 : i32
    %dma_start3A_79 = tpu.memref_slice %arg3[%dma_start3A_77, %dma_start3A_78] : memref<1000000x64xf32, #tpu.memory_space<hbm>> -> memref<1000000x64xf32, #tpu.memory_space<hbm>>
    tpu.enqueue_indirect_dma source(%dma_start3A_79 : memref<1000000x64xf32, #tpu.memory_space<hbm>>) target(%dma_start3A_73 : memref<100x64xf32, #tpu.memory_space<vmem>>) offsets(%dma_start3A_76 : memref<100xi32, #tpu.memory_space<vmem>>) semaphore(%arg9 : memref<!tpu.dma_semaphore, #tpu.memory_space<semaphore_mem>>)
    %dma_start3A_80 = arith.constant 6 : i32
    %dma_start3A_81 = arith.constant 0 : i32
    %dma_start3A_82 = arith.constant 3 : i32
    %dma_start3A_83 = arith.constant 0 : i32
    %dma_start3A_84 = arith.constant 0 : i32
    %dma_start3A_85 = tpu.memref_slice %arg7[%dma_start3A_81, %dma_start3A_82, %dma_start3A_83, %dma_start3A_84] : memref<2x4x200x64xf32, #tpu.memory_space<vmem>> -> memref<1x1x100x64xf32, #tpu.memory_space<vmem>>
    %dma_start3A_86 = tpu.memref_squeeze %dma_start3A_85 : memref<1x1x100x64xf32, #tpu.memory_space<vmem>> -> memref<100x64xf32, #tpu.memory_space<vmem>>
    %dma_start3A_87 = arith.constant 0 : i32
    %dma_start3A_88 = tpu.memref_slice %arg6[%dma_start3A_80, %dma_start3A_87] : memref<64x100xi32, #tpu.memory_space<vmem>> -> memref<1x100xi32, #tpu.memory_space<vmem>>
    %dma_start3A_89 = tpu.memref_squeeze %dma_start3A_88 : memref<1x100xi32, #tpu.memory_space<vmem>> -> memref<100xi32, #tpu.memory_space<vmem>>
    %dma_start3A_90 = arith.constant 0 : i32
    %dma_start3A_91 = arith.constant 0 : i32
    %dma_start3A_92 = tpu.memref_slice %arg3[%dma_start3A_90, %dma_start3A_91] : memref<1000000x64xf32, #tpu.memory_space<hbm>> -> memref<1000000x64xf32, #tpu.memory_space<hbm>>
    tpu.enqueue_indirect_dma source(%dma_start3A_92 : memref<1000000x64xf32, #tpu.memory_space<hbm>>) target(%dma_start3A_86 : memref<100x64xf32, #tpu.memory_space<vmem>>) offsets(%dma_start3A_89 : memref<100xi32, #tpu.memory_space<vmem>>) semaphore(%arg9 : memref<!tpu.dma_semaphore, #tpu.memory_space<semaphore_mem>>)
    %dma_start3A_93 = arith.constant 7 : i32
    %dma_start3A_94 = arith.constant 0 : i32
    %dma_start3A_95 = arith.constant 3 : i32
    %dma_start3A_96 = arith.constant 100 : i32
    %dma_start3A_97 = arith.constant 0 : i32
    %dma_start3A_98 = tpu.memref_slice %arg7[%dma_start3A_94, %dma_start3A_95, %dma_start3A_96, %dma_start3A_97] : memref<2x4x200x64xf32, #tpu.memory_space<vmem>> -> memref<1x1x100x64xf32, #tpu.memory_space<vmem>>
    %dma_start3A_99 = tpu.memref_squeeze %dma_start3A_98 : memref<1x1x100x64xf32, #tpu.memory_space<vmem>> -> memref<100x64xf32, #tpu.memory_space<vmem>>
    %dma_start3A_100 = arith.constant 0 : i32
    %dma_start3A_101 = tpu.memref_slice %arg6[%dma_start3A_93, %dma_start3A_100] : memref<64x100xi32, #tpu.memory_space<vmem>> -> memref<1x100xi32, #tpu.memory_space<vmem>>
    %dma_start3A_102 = tpu.memref_squeeze %dma_start3A_101 : memref<1x100xi32, #tpu.memory_space<vmem>> -> memref<100xi32, #tpu.memory_space<vmem>>
    %dma_start3A_103 = arith.constant 0 : i32
    %dma_start3A_104 = arith.constant 0 : i32
    %dma_start3A_105 = tpu.memref_slice %arg3[%dma_start3A_103, %dma_start3A_104] : memref<1000000x64xf32, #tpu.memory_space<hbm>> -> memref<1000000x64xf32, #tpu.memory_space<hbm>>
    tpu.enqueue_indirect_dma source(%dma_start3A_105 : memref<1000000x64xf32, #tpu.memory_space<hbm>>) target(%dma_start3A_99 : memref<100x64xf32, #tpu.memory_space<vmem>>) offsets(%dma_start3A_102 : memref<100xi32, #tpu.memory_space<vmem>>) semaphore(%arg9 : memref<!tpu.dma_semaphore, #tpu.memory_space<semaphore_mem>>)
    %scan3A = arith.constant 0 : i32
    %scan3A_106 = arith.constant 0 : i32
    %scan3A_107 = arith.constant 4 : i32
    %scan3A_108 = arith.addi %scan3A_106, %scan3A_107 : i32
    %scan3A_109 = arith.constant 1 : i32
    scf.for %scan3A_131 = %scan3A_106 to %scan3A_108 step %scan3A_109  : i32 {
      %mul3A_132 = arith.constant 2 : i32
      %mul3A_133 = arith.muli %mul3A_132, %scan3A_131 : i32
      %add3A_134 = arith.constant 0 : i32
      %add3A_135 = arith.addi %mul3A_133, %add3A_134 : i32
      %ge3A = arith.constant 1 : i32
      %ge3A_136 = arith.cmpi sge, %add3A_135, %ge3A : i32
      %convert_element_type3A = arith.extui %ge3A_136 : i1 to i32
      %cond3A = arith.constant 0 : i32
      %cond3A_137 = arith.cmpi ne, %convert_element_type3A, %cond3A : i32
      scf.if %cond3A_137 {
        %sub3A = arith.constant 1 : i32
        %sub3A_472 = arith.subi %add3A_135, %sub3A : i32
        %mul3A_473 = arith.constant 32 : i32
        %mul3A_474 = arith.muli %add3A, %mul3A_473 : i32
        %mul3A_475 = arith.constant 4 : i32
        %mul3A_476 = arith.muli %sub3A_472, %mul3A_475 : i32
        %add3A_477 = arith.addi %mul3A_474, %mul3A_476 : i32
        %dma_wait3A_478 = arith.constant 1 : i32
        %dma_wait3A_479 = arith.constant 0 : i32
        %dma_wait3A_480 = arith.constant 0 : i32
        %dma_wait3A_481 = arith.constant 0 : i32
        %dma_wait3A_482 = tpu.memref_slice %arg7[%dma_wait3A_478, %dma_wait3A_479, %dma_wait3A_480, %dma_wait3A_481] : memref<2x4x200x64xf32, #tpu.memory_space<vmem>> -> memref<1x4x200x64xf32, #tpu.memory_space<vmem>>
        %dma_wait3A_483 = tpu.memref_squeeze %dma_wait3A_482 : memref<1x4x200x64xf32, #tpu.memory_space<vmem>> -> memref<4x200x64xf32, #tpu.memory_space<vmem>>
        %dma_wait3A_484 = arith.constant 0 : i32
        %dma_wait3A_485 = arith.constant 0 : i32
        %dma_wait3A_486 = tpu.memref_slice %arg5[%add3A_477, %dma_wait3A_484, %dma_wait3A_485] : memref<1024x200x128xf32, #tpu.memory_space<hbm>> -> memref<4x200x64xf32, #tpu.memory_space<hbm>>
        %dma_wait3A_487 = arith.constant 0 : i32
        %dma_wait3A_488 = arith.constant 0 : i32
        %dma_wait3A_489 = tpu.memref_slice %arg5[%add3A_477, %dma_wait3A_487, %dma_wait3A_488] : memref<1024x200x128xf32, #tpu.memory_space<hbm>> -> memref<4x200x64xf32, #tpu.memory_space<hbm>>
        %dma_wait3A_490 = arith.constant 0 : i32
        %dma_wait3A_491 = arith.constant 0 : i32
        %dma_wait3A_492 = arith.constant 0 : i32
        %dma_wait3A_493 = tpu.memref_slice %arg7[%dma_wait3A_478, %dma_wait3A_490, %dma_wait3A_491, %dma_wait3A_492] : memref<2x4x200x64xf32, #tpu.memory_space<vmem>> -> memref<1x4x200x64xf32, #tpu.memory_space<vmem>>
        %dma_wait3A_494 = tpu.memref_squeeze %dma_wait3A_493 : memref<1x4x200x64xf32, #tpu.memory_space<vmem>> -> memref<4x200x64xf32, #tpu.memory_space<vmem>>
        tpu.wait_dma2 semaphore(%arg11 : memref<!tpu.dma_semaphore, #tpu.memory_space<semaphore_mem>>) src(%dma_wait3A_494 : memref<4x200x64xf32, #tpu.memory_space<vmem>>) dst(%dma_wait3A_489 : memref<4x200x64xf32, #tpu.memory_space<hbm>>)
      } else {
      }
      %add3A_138 = arith.constant 1 : i32
      %add3A_139 = arith.addi %add3A_135, %add3A_138 : i32
      %lt3A = arith.constant 8 : i32
      %lt3A_140 = arith.cmpi slt, %add3A_139, %lt3A : i32
      %convert_element_type3A_141 = arith.extui %lt3A_140 : i1 to i32
      %cond3A_142 = arith.constant 0 : i32
      %cond3A_143 = arith.cmpi ne, %convert_element_type3A_141, %cond3A_142 : i32
      scf.if %cond3A_143 {
        %add3A_472 = arith.constant 1 : i32
        %add3A_473 = arith.addi %add3A_135, %add3A_472 : i32
        %mul3A_474 = arith.constant 8 : i32
        %mul3A_475 = arith.muli %add3A_473, %mul3A_474 : i32
        %add3A_476 = arith.constant 0 : i32
        %add3A_477 = arith.addi %mul3A_475, %add3A_476 : i32
        %mul3A_478 = arith.constant 8 : i32
        %mul3A_479 = arith.muli %add3A_473, %mul3A_478 : i32
        %add3A_480 = arith.constant 1 : i32
        %add3A_481 = arith.addi %mul3A_479, %add3A_480 : i32
        %mul3A_482 = arith.constant 8 : i32
        %mul3A_483 = arith.muli %add3A_473, %mul3A_482 : i32
        %add3A_484 = arith.constant 2 : i32
        %add3A_485 = arith.addi %mul3A_483, %add3A_484 : i32
        %mul3A_486 = arith.constant 8 : i32
        %mul3A_487 = arith.muli %add3A_473, %mul3A_486 : i32
        %add3A_488 = arith.constant 3 : i32
        %add3A_489 = arith.addi %mul3A_487, %add3A_488 : i32
        %mul3A_490 = arith.constant 8 : i32
        %mul3A_491 = arith.muli %add3A_473, %mul3A_490 : i32
        %add3A_492 = arith.constant 4 : i32
        %add3A_493 = arith.addi %mul3A_491, %add3A_492 : i32
        %mul3A_494 = arith.constant 8 : i32
        %mul3A_495 = arith.muli %add3A_473, %mul3A_494 : i32
        %add3A_496 = arith.constant 5 : i32
        %add3A_497 = arith.addi %mul3A_495, %add3A_496 : i32
        %mul3A_498 = arith.constant 8 : i32
        %mul3A_499 = arith.muli %add3A_473, %mul3A_498 : i32
        %add3A_500 = arith.constant 6 : i32
        %add3A_501 = arith.addi %mul3A_499, %add3A_500 : i32
        %mul3A_502 = arith.constant 8 : i32
        %mul3A_503 = arith.muli %add3A_473, %mul3A_502 : i32
        %add3A_504 = arith.constant 7 : i32
        %add3A_505 = arith.addi %mul3A_503, %add3A_504 : i32
        %dma_start3A_506 = arith.constant 1 : i32
        %dma_start3A_507 = arith.constant 0 : i32
        %dma_start3A_508 = arith.constant 0 : i32
        %dma_start3A_509 = arith.constant 0 : i32
        %dma_start3A_510 = tpu.memref_slice %arg7[%dma_start3A_506, %dma_start3A_507, %dma_start3A_508, %dma_start3A_509] : memref<2x4x200x64xf32, #tpu.memory_space<vmem>> -> memref<1x1x100x64xf32, #tpu.memory_space<vmem>>
        %dma_start3A_511 = tpu.memref_squeeze %dma_start3A_510 : memref<1x1x100x64xf32, #tpu.memory_space<vmem>> -> memref<100x64xf32, #tpu.memory_space<vmem>>
        %dma_start3A_512 = arith.constant 0 : i32
        %dma_start3A_513 = tpu.memref_slice %arg6[%add3A_477, %dma_start3A_512] : memref<64x100xi32, #tpu.memory_space<vmem>> -> memref<1x100xi32, #tpu.memory_space<vmem>>
        %dma_start3A_514 = tpu.memref_squeeze %dma_start3A_513 : memref<1x100xi32, #tpu.memory_space<vmem>> -> memref<100xi32, #tpu.memory_space<vmem>>
        %dma_start3A_515 = arith.constant 0 : i32
        %dma_start3A_516 = arith.constant 0 : i32
        %dma_start3A_517 = tpu.memref_slice %arg3[%dma_start3A_515, %dma_start3A_516] : memref<1000000x64xf32, #tpu.memory_space<hbm>> -> memref<1000000x64xf32, #tpu.memory_space<hbm>>
        tpu.enqueue_indirect_dma source(%dma_start3A_517 : memref<1000000x64xf32, #tpu.memory_space<hbm>>) target(%dma_start3A_511 : memref<100x64xf32, #tpu.memory_space<vmem>>) offsets(%dma_start3A_514 : memref<100xi32, #tpu.memory_space<vmem>>) semaphore(%arg10 : memref<!tpu.dma_semaphore, #tpu.memory_space<semaphore_mem>>)
        %dma_start3A_518 = arith.constant 1 : i32
        %dma_start3A_519 = arith.constant 0 : i32
        %dma_start3A_520 = arith.constant 100 : i32
        %dma_start3A_521 = arith.constant 0 : i32
        %dma_start3A_522 = tpu.memref_slice %arg7[%dma_start3A_518, %dma_start3A_519, %dma_start3A_520, %dma_start3A_521] : memref<2x4x200x64xf32, #tpu.memory_space<vmem>> -> memref<1x1x100x64xf32, #tpu.memory_space<vmem>>
        %dma_start3A_523 = tpu.memref_squeeze %dma_start3A_522 : memref<1x1x100x64xf32, #tpu.memory_space<vmem>> -> memref<100x64xf32, #tpu.memory_space<vmem>>
        %dma_start3A_524 = arith.constant 0 : i32
        %dma_start3A_525 = tpu.memref_slice %arg6[%add3A_481, %dma_start3A_524] : memref<64x100xi32, #tpu.memory_space<vmem>> -> memref<1x100xi32, #tpu.memory_space<vmem>>
        %dma_start3A_526 = tpu.memref_squeeze %dma_start3A_525 : memref<1x100xi32, #tpu.memory_space<vmem>> -> memref<100xi32, #tpu.memory_space<vmem>>
        %dma_start3A_527 = arith.constant 0 : i32
        %dma_start3A_528 = arith.constant 0 : i32
        %dma_start3A_529 = tpu.memref_slice %arg3[%dma_start3A_527, %dma_start3A_528] : memref<1000000x64xf32, #tpu.memory_space<hbm>> -> memref<1000000x64xf32, #tpu.memory_space<hbm>>
        tpu.enqueue_indirect_dma source(%dma_start3A_529 : memref<1000000x64xf32, #tpu.memory_space<hbm>>) target(%dma_start3A_523 : memref<100x64xf32, #tpu.memory_space<vmem>>) offsets(%dma_start3A_526 : memref<100xi32, #tpu.memory_space<vmem>>) semaphore(%arg10 : memref<!tpu.dma_semaphore, #tpu.memory_space<semaphore_mem>>)
        %dma_start3A_530 = arith.constant 1 : i32
        %dma_start3A_531 = arith.constant 1 : i32
        %dma_start3A_532 = arith.constant 0 : i32
        %dma_start3A_533 = arith.constant 0 : i32
        %dma_start3A_534 = tpu.memref_slice %arg7[%dma_start3A_530, %dma_start3A_531, %dma_start3A_532, %dma_start3A_533] : memref<2x4x200x64xf32, #tpu.memory_space<vmem>> -> memref<1x1x100x64xf32, #tpu.memory_space<vmem>>
        %dma_start3A_535 = tpu.memref_squeeze %dma_start3A_534 : memref<1x1x100x64xf32, #tpu.memory_space<vmem>> -> memref<100x64xf32, #tpu.memory_space<vmem>>
        %dma_start3A_536 = arith.constant 0 : i32
        %dma_start3A_537 = tpu.memref_slice %arg6[%add3A_485, %dma_start3A_536] : memref<64x100xi32, #tpu.memory_space<vmem>> -> memref<1x100xi32, #tpu.memory_space<vmem>>
        %dma_start3A_538 = tpu.memref_squeeze %dma_start3A_537 : memref<1x100xi32, #tpu.memory_space<vmem>> -> memref<100xi32, #tpu.memory_space<vmem>>
        %dma_start3A_539 = arith.constant 0 : i32
        %dma_start3A_540 = arith.constant 0 : i32
        %dma_start3A_541 = tpu.memref_slice %arg3[%dma_start3A_539, %dma_start3A_540] : memref<1000000x64xf32, #tpu.memory_space<hbm>> -> memref<1000000x64xf32, #tpu.memory_space<hbm>>
        tpu.enqueue_indirect_dma source(%dma_start3A_541 : memref<1000000x64xf32, #tpu.memory_space<hbm>>) target(%dma_start3A_535 : memref<100x64xf32, #tpu.memory_space<vmem>>) offsets(%dma_start3A_538 : memref<100xi32, #tpu.memory_space<vmem>>) semaphore(%arg10 : memref<!tpu.dma_semaphore, #tpu.memory_space<semaphore_mem>>)
        %dma_start3A_542 = arith.constant 1 : i32
        %dma_start3A_543 = arith.constant 1 : i32
        %dma_start3A_544 = arith.constant 100 : i32
        %dma_start3A_545 = arith.constant 0 : i32
        %dma_start3A_546 = tpu.memref_slice %arg7[%dma_start3A_542, %dma_start3A_543, %dma_start3A_544, %dma_start3A_545] : memref<2x4x200x64xf32, #tpu.memory_space<vmem>> -> memref<1x1x100x64xf32, #tpu.memory_space<vmem>>
        %dma_start3A_547 = tpu.memref_squeeze %dma_start3A_546 : memref<1x1x100x64xf32, #tpu.memory_space<vmem>> -> memref<100x64xf32, #tpu.memory_space<vmem>>
        %dma_start3A_548 = arith.constant 0 : i32
        %dma_start3A_549 = tpu.memref_slice %arg6[%add3A_489, %dma_start3A_548] : memref<64x100xi32, #tpu.memory_space<vmem>> -> memref<1x100xi32, #tpu.memory_space<vmem>>
        %dma_start3A_550 = tpu.memref_squeeze %dma_start3A_549 : memref<1x100xi32, #tpu.memory_space<vmem>> -> memref<100xi32, #tpu.memory_space<vmem>>
        %dma_start3A_551 = arith.constant 0 : i32
        %dma_start3A_552 = arith.constant 0 : i32
        %dma_start3A_553 = tpu.memref_slice %arg3[%dma_start3A_551, %dma_start3A_552] : memref<1000000x64xf32, #tpu.memory_space<hbm>> -> memref<1000000x64xf32, #tpu.memory_space<hbm>>
        tpu.enqueue_indirect_dma source(%dma_start3A_553 : memref<1000000x64xf32, #tpu.memory_space<hbm>>) target(%dma_start3A_547 : memref<100x64xf32, #tpu.memory_space<vmem>>) offsets(%dma_start3A_550 : memref<100xi32, #tpu.memory_space<vmem>>) semaphore(%arg10 : memref<!tpu.dma_semaphore, #tpu.memory_space<semaphore_mem>>)
        %dma_start3A_554 = arith.constant 1 : i32
        %dma_start3A_555 = arith.constant 2 : i32
        %dma_start3A_556 = arith.constant 0 : i32
        %dma_start3A_557 = arith.constant 0 : i32
        %dma_start3A_558 = tpu.memref_slice %arg7[%dma_start3A_554, %dma_start3A_555, %dma_start3A_556, %dma_start3A_557] : memref<2x4x200x64xf32, #tpu.memory_space<vmem>> -> memref<1x1x100x64xf32, #tpu.memory_space<vmem>>
        %dma_start3A_559 = tpu.memref_squeeze %dma_start3A_558 : memref<1x1x100x64xf32, #tpu.memory_space<vmem>> -> memref<100x64xf32, #tpu.memory_space<vmem>>
        %dma_start3A_560 = arith.constant 0 : i32
        %dma_start3A_561 = tpu.memref_slice %arg6[%add3A_493, %dma_start3A_560] : memref<64x100xi32, #tpu.memory_space<vmem>> -> memref<1x100xi32, #tpu.memory_space<vmem>>
        %dma_start3A_562 = tpu.memref_squeeze %dma_start3A_561 : memref<1x100xi32, #tpu.memory_space<vmem>> -> memref<100xi32, #tpu.memory_space<vmem>>
        %dma_start3A_563 = arith.constant 0 : i32
        %dma_start3A_564 = arith.constant 0 : i32
        %dma_start3A_565 = tpu.memref_slice %arg3[%dma_start3A_563, %dma_start3A_564] : memref<1000000x64xf32, #tpu.memory_space<hbm>> -> memref<1000000x64xf32, #tpu.memory_space<hbm>>
        tpu.enqueue_indirect_dma source(%dma_start3A_565 : memref<1000000x64xf32, #tpu.memory_space<hbm>>) target(%dma_start3A_559 : memref<100x64xf32, #tpu.memory_space<vmem>>) offsets(%dma_start3A_562 : memref<100xi32, #tpu.memory_space<vmem>>) semaphore(%arg10 : memref<!tpu.dma_semaphore, #tpu.memory_space<semaphore_mem>>)
        %dma_start3A_566 = arith.constant 1 : i32
        %dma_start3A_567 = arith.constant 2 : i32
        %dma_start3A_568 = arith.constant 100 : i32
        %dma_start3A_569 = arith.constant 0 : i32
        %dma_start3A_570 = tpu.memref_slice %arg7[%dma_start3A_566, %dma_start3A_567, %dma_start3A_568, %dma_start3A_569] : memref<2x4x200x64xf32, #tpu.memory_space<vmem>> -> memref<1x1x100x64xf32, #tpu.memory_space<vmem>>
        %dma_start3A_571 = tpu.memref_squeeze %dma_start3A_570 : memref<1x1x100x64xf32, #tpu.memory_space<vmem>> -> memref<100x64xf32, #tpu.memory_space<vmem>>
        %dma_start3A_572 = arith.constant 0 : i32
        %dma_start3A_573 = tpu.memref_slice %arg6[%add3A_497, %dma_start3A_572] : memref<64x100xi32, #tpu.memory_space<vmem>> -> memref<1x100xi32, #tpu.memory_space<vmem>>
        %dma_start3A_574 = tpu.memref_squeeze %dma_start3A_573 : memref<1x100xi32, #tpu.memory_space<vmem>> -> memref<100xi32, #tpu.memory_space<vmem>>
        %dma_start3A_575 = arith.constant 0 : i32
        %dma_start3A_576 = arith.constant 0 : i32
        %dma_start3A_577 = tpu.memref_slice %arg3[%dma_start3A_575, %dma_start3A_576] : memref<1000000x64xf32, #tpu.memory_space<hbm>> -> memref<1000000x64xf32, #tpu.memory_space<hbm>>
        tpu.enqueue_indirect_dma source(%dma_start3A_577 : memref<1000000x64xf32, #tpu.memory_space<hbm>>) target(%dma_start3A_571 : memref<100x64xf32, #tpu.memory_space<vmem>>) offsets(%dma_start3A_574 : memref<100xi32, #tpu.memory_space<vmem>>) semaphore(%arg10 : memref<!tpu.dma_semaphore, #tpu.memory_space<semaphore_mem>>)
        %dma_start3A_578 = arith.constant 1 : i32
        %dma_start3A_579 = arith.constant 3 : i32
        %dma_start3A_580 = arith.constant 0 : i32
        %dma_start3A_581 = arith.constant 0 : i32
        %dma_start3A_582 = tpu.memref_slice %arg7[%dma_start3A_578, %dma_start3A_579, %dma_start3A_580, %dma_start3A_581] : memref<2x4x200x64xf32, #tpu.memory_space<vmem>> -> memref<1x1x100x64xf32, #tpu.memory_space<vmem>>
        %dma_start3A_583 = tpu.memref_squeeze %dma_start3A_582 : memref<1x1x100x64xf32, #tpu.memory_space<vmem>> -> memref<100x64xf32, #tpu.memory_space<vmem>>
        %dma_start3A_584 = arith.constant 0 : i32
        %dma_start3A_585 = tpu.memref_slice %arg6[%add3A_501, %dma_start3A_584] : memref<64x100xi32, #tpu.memory_space<vmem>> -> memref<1x100xi32, #tpu.memory_space<vmem>>
        %dma_start3A_586 = tpu.memref_squeeze %dma_start3A_585 : memref<1x100xi32, #tpu.memory_space<vmem>> -> memref<100xi32, #tpu.memory_space<vmem>>
        %dma_start3A_587 = arith.constant 0 : i32
        %dma_start3A_588 = arith.constant 0 : i32
        %dma_start3A_589 = tpu.memref_slice %arg3[%dma_start3A_587, %dma_start3A_588] : memref<1000000x64xf32, #tpu.memory_space<hbm>> -> memref<1000000x64xf32, #tpu.memory_space<hbm>>
        tpu.enqueue_indirect_dma source(%dma_start3A_589 : memref<1000000x64xf32, #tpu.memory_space<hbm>>) target(%dma_start3A_583 : memref<100x64xf32, #tpu.memory_space<vmem>>) offsets(%dma_start3A_586 : memref<100xi32, #tpu.memory_space<vmem>>) semaphore(%arg10 : memref<!tpu.dma_semaphore, #tpu.memory_space<semaphore_mem>>)
        %dma_start3A_590 = arith.constant 1 : i32
        %dma_start3A_591 = arith.constant 3 : i32
        %dma_start3A_592 = arith.constant 100 : i32
        %dma_start3A_593 = arith.constant 0 : i32
        %dma_start3A_594 = tpu.memref_slice %arg7[%dma_start3A_590, %dma_start3A_591, %dma_start3A_592, %dma_start3A_593] : memref<2x4x200x64xf32, #tpu.memory_space<vmem>> -> memref<1x1x100x64xf32, #tpu.memory_space<vmem>>
        %dma_start3A_595 = tpu.memref_squeeze %dma_start3A_594 : memref<1x1x100x64xf32, #tpu.memory_space<vmem>> -> memref<100x64xf32, #tpu.memory_space<vmem>>
        %dma_start3A_596 = arith.constant 0 : i32
        %dma_start3A_597 = tpu.memref_slice %arg6[%add3A_505, %dma_start3A_596] : memref<64x100xi32, #tpu.memory_space<vmem>> -> memref<1x100xi32, #tpu.memory_space<vmem>>
        %dma_start3A_598 = tpu.memref_squeeze %dma_start3A_597 : memref<1x100xi32, #tpu.memory_space<vmem>> -> memref<100xi32, #tpu.memory_space<vmem>>
        %dma_start3A_599 = arith.constant 0 : i32
        %dma_start3A_600 = arith.constant 0 : i32
        %dma_start3A_601 = tpu.memref_slice %arg3[%dma_start3A_599, %dma_start3A_600] : memref<1000000x64xf32, #tpu.memory_space<hbm>> -> memref<1000000x64xf32, #tpu.memory_space<hbm>>
        tpu.enqueue_indirect_dma source(%dma_start3A_601 : memref<1000000x64xf32, #tpu.memory_space<hbm>>) target(%dma_start3A_595 : memref<100x64xf32, #tpu.memory_space<vmem>>) offsets(%dma_start3A_598 : memref<100xi32, #tpu.memory_space<vmem>>) semaphore(%arg10 : memref<!tpu.dma_semaphore, #tpu.memory_space<semaphore_mem>>)
      } else {
      }
      %mul3A_144 = arith.constant 8 : i32
      %mul3A_145 = arith.muli %add3A_135, %mul3A_144 : i32
      %add3A_146 = arith.constant 0 : i32
      %add3A_147 = arith.addi %mul3A_145, %add3A_146 : i32
      %mul3A_148 = arith.constant 8 : i32
      %mul3A_149 = arith.muli %add3A_135, %mul3A_148 : i32
      %add3A_150 = arith.constant 1 : i32
      %add3A_151 = arith.addi %mul3A_149, %add3A_150 : i32
      %mul3A_152 = arith.constant 8 : i32
      %mul3A_153 = arith.muli %add3A_135, %mul3A_152 : i32
      %add3A_154 = arith.constant 2 : i32
      %add3A_155 = arith.addi %mul3A_153, %add3A_154 : i32
      %mul3A_156 = arith.constant 8 : i32
      %mul3A_157 = arith.muli %add3A_135, %mul3A_156 : i32
      %add3A_158 = arith.constant 3 : i32
      %add3A_159 = arith.addi %mul3A_157, %add3A_158 : i32
      %mul3A_160 = arith.constant 8 : i32
      %mul3A_161 = arith.muli %add3A_135, %mul3A_160 : i32
      %add3A_162 = arith.constant 4 : i32
      %add3A_163 = arith.addi %mul3A_161, %add3A_162 : i32
      %mul3A_164 = arith.constant 8 : i32
      %mul3A_165 = arith.muli %add3A_135, %mul3A_164 : i32
      %add3A_166 = arith.constant 5 : i32
      %add3A_167 = arith.addi %mul3A_165, %add3A_166 : i32
      %mul3A_168 = arith.constant 8 : i32
      %mul3A_169 = arith.muli %add3A_135, %mul3A_168 : i32
      %add3A_170 = arith.constant 6 : i32
      %add3A_171 = arith.addi %mul3A_169, %add3A_170 : i32
      %mul3A_172 = arith.constant 8 : i32
      %mul3A_173 = arith.muli %add3A_135, %mul3A_172 : i32
      %add3A_174 = arith.constant 7 : i32
      %add3A_175 = arith.addi %mul3A_173, %add3A_174 : i32
      %dma_wait3A_176 = arith.constant 0 : i32
      %dma_wait3A_177 = arith.constant 0 : i32
      %dma_wait3A_178 = arith.constant 0 : i32
      %dma_wait3A_179 = arith.constant 0 : i32
      %dma_wait3A_180 = tpu.memref_slice %arg7[%dma_wait3A_176, %dma_wait3A_177, %dma_wait3A_178, %dma_wait3A_179] : memref<2x4x200x64xf32, #tpu.memory_space<vmem>> -> memref<1x1x100x64xf32, #tpu.memory_space<vmem>>
      %dma_wait3A_181 = tpu.memref_squeeze %dma_wait3A_180 : memref<1x1x100x64xf32, #tpu.memory_space<vmem>> -> memref<100x64xf32, #tpu.memory_space<vmem>>
      %dma_wait3A_182 = arith.constant 0 : i32
      %dma_wait3A_183 = tpu.memref_slice %arg6[%add3A_147, %dma_wait3A_182] : memref<64x100xi32, #tpu.memory_space<vmem>> -> memref<1x100xi32, #tpu.memory_space<vmem>>
      %dma_wait3A_184 = tpu.memref_squeeze %dma_wait3A_183 : memref<1x100xi32, #tpu.memory_space<vmem>> -> memref<100xi32, #tpu.memory_space<vmem>>
      %dma_wait3A_185 = arith.constant 0 : i32
      %dma_wait3A_186 = arith.constant 0 : i32
      %dma_wait3A_187 = tpu.memref_slice %arg3[%dma_wait3A_185, %dma_wait3A_186] : memref<1000000x64xf32, #tpu.memory_space<hbm>> -> memref<1000000x64xf32, #tpu.memory_space<hbm>>
      tpu.wait_indirect_dma semaphore(%arg9 : memref<!tpu.dma_semaphore, #tpu.memory_space<semaphore_mem>>) src(%dma_wait3A_187 : memref<1000000x64xf32, #tpu.memory_space<hbm>>) dst(%dma_wait3A_181 : memref<100x64xf32, #tpu.memory_space<vmem>>)
      %dma_wait3A_188 = arith.constant 0 : i32
      %dma_wait3A_189 = arith.constant 0 : i32
      %dma_wait3A_190 = arith.constant 100 : i32
      %dma_wait3A_191 = arith.constant 0 : i32
      %dma_wait3A_192 = tpu.memref_slice %arg7[%dma_wait3A_188, %dma_wait3A_189, %dma_wait3A_190, %dma_wait3A_191] : memref<2x4x200x64xf32, #tpu.memory_space<vmem>> -> memref<1x1x100x64xf32, #tpu.memory_space<vmem>>
      %dma_wait3A_193 = tpu.memref_squeeze %dma_wait3A_192 : memref<1x1x100x64xf32, #tpu.memory_space<vmem>> -> memref<100x64xf32, #tpu.memory_space<vmem>>
      %dma_wait3A_194 = arith.constant 0 : i32
      %dma_wait3A_195 = tpu.memref_slice %arg6[%add3A_151, %dma_wait3A_194] : memref<64x100xi32, #tpu.memory_space<vmem>> -> memref<1x100xi32, #tpu.memory_space<vmem>>
      %dma_wait3A_196 = tpu.memref_squeeze %dma_wait3A_195 : memref<1x100xi32, #tpu.memory_space<vmem>> -> memref<100xi32, #tpu.memory_space<vmem>>
      %dma_wait3A_197 = arith.constant 0 : i32
      %dma_wait3A_198 = arith.constant 0 : i32
      %dma_wait3A_199 = tpu.memref_slice %arg3[%dma_wait3A_197, %dma_wait3A_198] : memref<1000000x64xf32, #tpu.memory_space<hbm>> -> memref<1000000x64xf32, #tpu.memory_space<hbm>>
      tpu.wait_indirect_dma semaphore(%arg9 : memref<!tpu.dma_semaphore, #tpu.memory_space<semaphore_mem>>) src(%dma_wait3A_199 : memref<1000000x64xf32, #tpu.memory_space<hbm>>) dst(%dma_wait3A_193 : memref<100x64xf32, #tpu.memory_space<vmem>>)
      %dma_wait3A_200 = arith.constant 0 : i32
      %dma_wait3A_201 = arith.constant 1 : i32
      %dma_wait3A_202 = arith.constant 0 : i32
      %dma_wait3A_203 = arith.constant 0 : i32
      %dma_wait3A_204 = tpu.memref_slice %arg7[%dma_wait3A_200, %dma_wait3A_201, %dma_wait3A_202, %dma_wait3A_203] : memref<2x4x200x64xf32, #tpu.memory_space<vmem>> -> memref<1x1x100x64xf32, #tpu.memory_space<vmem>>
      %dma_wait3A_205 = tpu.memref_squeeze %dma_wait3A_204 : memref<1x1x100x64xf32, #tpu.memory_space<vmem>> -> memref<100x64xf32, #tpu.memory_space<vmem>>
      %dma_wait3A_206 = arith.constant 0 : i32
      %dma_wait3A_207 = tpu.memref_slice %arg6[%add3A_155, %dma_wait3A_206] : memref<64x100xi32, #tpu.memory_space<vmem>> -> memref<1x100xi32, #tpu.memory_space<vmem>>
      %dma_wait3A_208 = tpu.memref_squeeze %dma_wait3A_207 : memref<1x100xi32, #tpu.memory_space<vmem>> -> memref<100xi32, #tpu.memory_space<vmem>>
      %dma_wait3A_209 = arith.constant 0 : i32
      %dma_wait3A_210 = arith.constant 0 : i32
      %dma_wait3A_211 = tpu.memref_slice %arg3[%dma_wait3A_209, %dma_wait3A_210] : memref<1000000x64xf32, #tpu.memory_space<hbm>> -> memref<1000000x64xf32, #tpu.memory_space<hbm>>
      tpu.wait_indirect_dma semaphore(%arg9 : memref<!tpu.dma_semaphore, #tpu.memory_space<semaphore_mem>>) src(%dma_wait3A_211 : memref<1000000x64xf32, #tpu.memory_space<hbm>>) dst(%dma_wait3A_205 : memref<100x64xf32, #tpu.memory_space<vmem>>)
      %dma_wait3A_212 = arith.constant 0 : i32
      %dma_wait3A_213 = arith.constant 1 : i32
      %dma_wait3A_214 = arith.constant 100 : i32
      %dma_wait3A_215 = arith.constant 0 : i32
      %dma_wait3A_216 = tpu.memref_slice %arg7[%dma_wait3A_212, %dma_wait3A_213, %dma_wait3A_214, %dma_wait3A_215] : memref<2x4x200x64xf32, #tpu.memory_space<vmem>> -> memref<1x1x100x64xf32, #tpu.memory_space<vmem>>
      %dma_wait3A_217 = tpu.memref_squeeze %dma_wait3A_216 : memref<1x1x100x64xf32, #tpu.memory_space<vmem>> -> memref<100x64xf32, #tpu.memory_space<vmem>>
      %dma_wait3A_218 = arith.constant 0 : i32
      %dma_wait3A_219 = tpu.memref_slice %arg6[%add3A_159, %dma_wait3A_218] : memref<64x100xi32, #tpu.memory_space<vmem>> -> memref<1x100xi32, #tpu.memory_space<vmem>>
      %dma_wait3A_220 = tpu.memref_squeeze %dma_wait3A_219 : memref<1x100xi32, #tpu.memory_space<vmem>> -> memref<100xi32, #tpu.memory_space<vmem>>
      %dma_wait3A_221 = arith.constant 0 : i32
      %dma_wait3A_222 = arith.constant 0 : i32
      %dma_wait3A_223 = tpu.memref_slice %arg3[%dma_wait3A_221, %dma_wait3A_222] : memref<1000000x64xf32, #tpu.memory_space<hbm>> -> memref<1000000x64xf32, #tpu.memory_space<hbm>>
      tpu.wait_indirect_dma semaphore(%arg9 : memref<!tpu.dma_semaphore, #tpu.memory_space<semaphore_mem>>) src(%dma_wait3A_223 : memref<1000000x64xf32, #tpu.memory_space<hbm>>) dst(%dma_wait3A_217 : memref<100x64xf32, #tpu.memory_space<vmem>>)
      %dma_wait3A_224 = arith.constant 0 : i32
      %dma_wait3A_225 = arith.constant 2 : i32
      %dma_wait3A_226 = arith.constant 0 : i32
      %dma_wait3A_227 = arith.constant 0 : i32
      %dma_wait3A_228 = tpu.memref_slice %arg7[%dma_wait3A_224, %dma_wait3A_225, %dma_wait3A_226, %dma_wait3A_227] : memref<2x4x200x64xf32, #tpu.memory_space<vmem>> -> memref<1x1x100x64xf32, #tpu.memory_space<vmem>>
      %dma_wait3A_229 = tpu.memref_squeeze %dma_wait3A_228 : memref<1x1x100x64xf32, #tpu.memory_space<vmem>> -> memref<100x64xf32, #tpu.memory_space<vmem>>
      %dma_wait3A_230 = arith.constant 0 : i32
      %dma_wait3A_231 = tpu.memref_slice %arg6[%add3A_163, %dma_wait3A_230] : memref<64x100xi32, #tpu.memory_space<vmem>> -> memref<1x100xi32, #tpu.memory_space<vmem>>
      %dma_wait3A_232 = tpu.memref_squeeze %dma_wait3A_231 : memref<1x100xi32, #tpu.memory_space<vmem>> -> memref<100xi32, #tpu.memory_space<vmem>>
      %dma_wait3A_233 = arith.constant 0 : i32
      %dma_wait3A_234 = arith.constant 0 : i32
      %dma_wait3A_235 = tpu.memref_slice %arg3[%dma_wait3A_233, %dma_wait3A_234] : memref<1000000x64xf32, #tpu.memory_space<hbm>> -> memref<1000000x64xf32, #tpu.memory_space<hbm>>
      tpu.wait_indirect_dma semaphore(%arg9 : memref<!tpu.dma_semaphore, #tpu.memory_space<semaphore_mem>>) src(%dma_wait3A_235 : memref<1000000x64xf32, #tpu.memory_space<hbm>>) dst(%dma_wait3A_229 : memref<100x64xf32, #tpu.memory_space<vmem>>)
      %dma_wait3A_236 = arith.constant 0 : i32
      %dma_wait3A_237 = arith.constant 2 : i32
      %dma_wait3A_238 = arith.constant 100 : i32
      %dma_wait3A_239 = arith.constant 0 : i32
      %dma_wait3A_240 = tpu.memref_slice %arg7[%dma_wait3A_236, %dma_wait3A_237, %dma_wait3A_238, %dma_wait3A_239] : memref<2x4x200x64xf32, #tpu.memory_space<vmem>> -> memref<1x1x100x64xf32, #tpu.memory_space<vmem>>
      %dma_wait3A_241 = tpu.memref_squeeze %dma_wait3A_240 : memref<1x1x100x64xf32, #tpu.memory_space<vmem>> -> memref<100x64xf32, #tpu.memory_space<vmem>>
      %dma_wait3A_242 = arith.constant 0 : i32
      %dma_wait3A_243 = tpu.memref_slice %arg6[%add3A_167, %dma_wait3A_242] : memref<64x100xi32, #tpu.memory_space<vmem>> -> memref<1x100xi32, #tpu.memory_space<vmem>>
      %dma_wait3A_244 = tpu.memref_squeeze %dma_wait3A_243 : memref<1x100xi32, #tpu.memory_space<vmem>> -> memref<100xi32, #tpu.memory_space<vmem>>
      %dma_wait3A_245 = arith.constant 0 : i32
      %dma_wait3A_246 = arith.constant 0 : i32
      %dma_wait3A_247 = tpu.memref_slice %arg3[%dma_wait3A_245, %dma_wait3A_246] : memref<1000000x64xf32, #tpu.memory_space<hbm>> -> memref<1000000x64xf32, #tpu.memory_space<hbm>>
      tpu.wait_indirect_dma semaphore(%arg9 : memref<!tpu.dma_semaphore, #tpu.memory_space<semaphore_mem>>) src(%dma_wait3A_247 : memref<1000000x64xf32, #tpu.memory_space<hbm>>) dst(%dma_wait3A_241 : memref<100x64xf32, #tpu.memory_space<vmem>>)
      %dma_wait3A_248 = arith.constant 0 : i32
      %dma_wait3A_249 = arith.constant 3 : i32
      %dma_wait3A_250 = arith.constant 0 : i32
      %dma_wait3A_251 = arith.constant 0 : i32
      %dma_wait3A_252 = tpu.memref_slice %arg7[%dma_wait3A_248, %dma_wait3A_249, %dma_wait3A_250, %dma_wait3A_251] : memref<2x4x200x64xf32, #tpu.memory_space<vmem>> -> memref<1x1x100x64xf32, #tpu.memory_space<vmem>>
      %dma_wait3A_253 = tpu.memref_squeeze %dma_wait3A_252 : memref<1x1x100x64xf32, #tpu.memory_space<vmem>> -> memref<100x64xf32, #tpu.memory_space<vmem>>
      %dma_wait3A_254 = arith.constant 0 : i32
      %dma_wait3A_255 = tpu.memref_slice %arg6[%add3A_171, %dma_wait3A_254] : memref<64x100xi32, #tpu.memory_space<vmem>> -> memref<1x100xi32, #tpu.memory_space<vmem>>
      %dma_wait3A_256 = tpu.memref_squeeze %dma_wait3A_255 : memref<1x100xi32, #tpu.memory_space<vmem>> -> memref<100xi32, #tpu.memory_space<vmem>>
      %dma_wait3A_257 = arith.constant 0 : i32
      %dma_wait3A_258 = arith.constant 0 : i32
      %dma_wait3A_259 = tpu.memref_slice %arg3[%dma_wait3A_257, %dma_wait3A_258] : memref<1000000x64xf32, #tpu.memory_space<hbm>> -> memref<1000000x64xf32, #tpu.memory_space<hbm>>
      tpu.wait_indirect_dma semaphore(%arg9 : memref<!tpu.dma_semaphore, #tpu.memory_space<semaphore_mem>>) src(%dma_wait3A_259 : memref<1000000x64xf32, #tpu.memory_space<hbm>>) dst(%dma_wait3A_253 : memref<100x64xf32, #tpu.memory_space<vmem>>)
      %dma_wait3A_260 = arith.constant 0 : i32
      %dma_wait3A_261 = arith.constant 3 : i32
      %dma_wait3A_262 = arith.constant 100 : i32
      %dma_wait3A_263 = arith.constant 0 : i32
      %dma_wait3A_264 = tpu.memref_slice %arg7[%dma_wait3A_260, %dma_wait3A_261, %dma_wait3A_262, %dma_wait3A_263] : memref<2x4x200x64xf32, #tpu.memory_space<vmem>> -> memref<1x1x100x64xf32, #tpu.memory_space<vmem>>
      %dma_wait3A_265 = tpu.memref_squeeze %dma_wait3A_264 : memref<1x1x100x64xf32, #tpu.memory_space<vmem>> -> memref<100x64xf32, #tpu.memory_space<vmem>>
      %dma_wait3A_266 = arith.constant 0 : i32
      %dma_wait3A_267 = tpu.memref_slice %arg6[%add3A_175, %dma_wait3A_266] : memref<64x100xi32, #tpu.memory_space<vmem>> -> memref<1x100xi32, #tpu.memory_space<vmem>>
      %dma_wait3A_268 = tpu.memref_squeeze %dma_wait3A_267 : memref<1x100xi32, #tpu.memory_space<vmem>> -> memref<100xi32, #tpu.memory_space<vmem>>
      %dma_wait3A_269 = arith.constant 0 : i32
      %dma_wait3A_270 = arith.constant 0 : i32
      %dma_wait3A_271 = tpu.memref_slice %arg3[%dma_wait3A_269, %dma_wait3A_270] : memref<1000000x64xf32, #tpu.memory_space<hbm>> -> memref<1000000x64xf32, #tpu.memory_space<hbm>>
      tpu.wait_indirect_dma semaphore(%arg9 : memref<!tpu.dma_semaphore, #tpu.memory_space<semaphore_mem>>) src(%dma_wait3A_271 : memref<1000000x64xf32, #tpu.memory_space<hbm>>) dst(%dma_wait3A_265 : memref<100x64xf32, #tpu.memory_space<vmem>>)
      %scan3A_272 = arith.constant 0 : i32
      %scan3A_273 = arith.constant 0 : i32
      %scan3A_274 = arith.constant 200 : i32
      %scan3A_275 = arith.addi %scan3A_273, %scan3A_274 : i32
      %scan3A_276 = arith.constant 1 : i32
      scf.for %scan3A_472 = %scan3A_273 to %scan3A_275 step %scan3A_276  : i32 {
        %get3A = arith.index_cast %scan3A_472 : i32 to index
        %get3A_473 = arith.constant 0 : index
        %get3A_474 = tpu.vector_load %arg8[%get3A, %get3A_473] {strides = array<i32>} : memref<200x64xf32, #tpu.memory_space<vmem>>, vector<1x16xf32>,
        %get3A_475 = vector.shape_cast %get3A_474 : vector<1x16xf32> to vector<16xf32>
        %get3A_476 = arith.constant 0 : i32
        %get3A_477 = arith.constant 0 : i32
        %get3A_478 = arith.index_cast %get3A_476 : i32 to index
        %get3A_479 = arith.index_cast %get3A_477 : i32 to index
        %get3A_480 = arith.index_cast %scan3A_472 : i32 to index
        %get3A_481 = arith.constant 0 : index
        %get3A_482 = tpu.vector_load %arg7[%get3A_478, %get3A_479, %get3A_480, %get3A_481] {strides = array<i32>} : memref<2x4x200x64xf32, #tpu.memory_space<vmem>>, vector<1x1x1x16xf32>,
        %get3A_483 = vector.shape_cast %get3A_482 : vector<1x1x1x16xf32> to vector<16xf32>
        %mul3A_484 = arith.constant 8.000000e+00 : f32
        %mul3A_485 = vector.broadcast %mul3A_484 : f32 to vector<16xf32>
        %mul3A_486 = arith.mulf %get3A_483, %mul3A_485 : vector<16xf32>
        %add3A_487 = arith.addf %mul3A_486, %get3A_475 : vector<16xf32>
        %swap3A = arith.constant 0 : i32
        %swap3A_488 = arith.constant 0 : i32
        %swap3A_489 = arith.index_cast %swap3A : i32 to index
        %swap3A_490 = arith.index_cast %swap3A_488 : i32 to index
        %swap3A_491 = arith.index_cast %scan3A_472 : i32 to index
        %swap3A_492 = arith.constant 0 : index
        %swap3A_493 = tpu.vector_load %arg7[%swap3A_489, %swap3A_490, %swap3A_491, %swap3A_492] {strides = array<i32>} : memref<2x4x200x64xf32, #tpu.memory_space<vmem>>, vector<1x1x1x16xf32>,
        %swap3A_494 = vector.shape_cast %swap3A_493 : vector<1x1x1x16xf32> to vector<16xf32>
        %swap3A_495 = vector.shape_cast %add3A_487 : vector<16xf32> to vector<1x1x1x16xf32>
        tpu.vector_store %arg7[%swap3A_489, %swap3A_490, %swap3A_491, %swap3A_492], %swap3A_495 {strides = array<i32>} : memref<2x4x200x64xf32, #tpu.memory_space<vmem>>, vector<1x1x1x16xf32>,
        %get3A_496 = arith.constant 0 : i32
        %get3A_497 = arith.constant 1 : i32
        %get3A_498 = arith.index_cast %get3A_496 : i32 to index
        %get3A_499 = arith.index_cast %get3A_497 : i32 to index
        %get3A_500 = arith.index_cast %scan3A_472 : i32 to index
        %get3A_501 = arith.constant 0 : index
        %get3A_502 = tpu.vector_load %arg7[%get3A_498, %get3A_499, %get3A_500, %get3A_501] {strides = array<i32>} : memref<2x4x200x64xf32, #tpu.memory_space<vmem>>, vector<1x1x1x16xf32>,
        %get3A_503 = vector.shape_cast %get3A_502 : vector<1x1x1x16xf32> to vector<16xf32>
        %mul3A_504 = arith.constant 8.000000e+00 : f32
        %mul3A_505 = vector.broadcast %mul3A_504 : f32 to vector<16xf32>
        %mul3A_506 = arith.mulf %get3A_503, %mul3A_505 : vector<16xf32>
        %add3A_507 = arith.addf %mul3A_506, %get3A_475 : vector<16xf32>
        %swap3A_508 = arith.constant 0 : i32
        %swap3A_509 = arith.constant 1 : i32
        %swap3A_510 = arith.index_cast %swap3A_508 : i32 to index
        %swap3A_511 = arith.index_cast %swap3A_509 : i32 to index
        %swap3A_512 = arith.index_cast %scan3A_472 : i32 to index
        %swap3A_513 = arith.constant 0 : index
        %swap3A_514 = tpu.vector_load %arg7[%swap3A_510, %swap3A_511, %swap3A_512, %swap3A_513] {strides = array<i32>} : memref<2x4x200x64xf32, #tpu.memory_space<vmem>>, vector<1x1x1x16xf32>,
        %swap3A_515 = vector.shape_cast %swap3A_514 : vector<1x1x1x16xf32> to vector<16xf32>
        %swap3A_516 = vector.shape_cast %add3A_507 : vector<16xf32> to vector<1x1x1x16xf32>
        tpu.vector_store %arg7[%swap3A_510, %swap3A_511, %swap3A_512, %swap3A_513], %swap3A_516 {strides = array<i32>} : memref<2x4x200x64xf32, #tpu.memory_space<vmem>>, vector<1x1x1x16xf32>,
        %get3A_517 = arith.constant 0 : i32
        %get3A_518 = arith.constant 2 : i32
        %get3A_519 = arith.index_cast %get3A_517 : i32 to index
        %get3A_520 = arith.index_cast %get3A_518 : i32 to index
        %get3A_521 = arith.index_cast %scan3A_472 : i32 to index
        %get3A_522 = arith.constant 0 : index
        %get3A_523 = tpu.vector_load %arg7[%get3A_519, %get3A_520, %get3A_521, %get3A_522] {strides = array<i32>} : memref<2x4x200x64xf32, #tpu.memory_space<vmem>>, vector<1x1x1x16xf32>,
        %get3A_524 = vector.shape_cast %get3A_523 : vector<1x1x1x16xf32> to vector<16xf32>
        %mul3A_525 = arith.constant 8.000000e+00 : f32
        %mul3A_526 = vector.broadcast %mul3A_525 : f32 to vector<16xf32>
        %mul3A_527 = arith.mulf %get3A_524, %mul3A_526 : vector<16xf32>
        %add3A_528 = arith.addf %mul3A_527, %get3A_475 : vector<16xf32>
        %swap3A_529 = arith.constant 0 : i32
        %swap3A_530 = arith.constant 2 : i32
        %swap3A_531 = arith.index_cast %swap3A_529 : i32 to index
        %swap3A_532 = arith.index_cast %swap3A_530 : i32 to index
        %swap3A_533 = arith.index_cast %scan3A_472 : i32 to index
        %swap3A_534 = arith.constant 0 : index
        %swap3A_535 = tpu.vector_load %arg7[%swap3A_531, %swap3A_532, %swap3A_533, %swap3A_534] {strides = array<i32>} : memref<2x4x200x64xf32, #tpu.memory_space<vmem>>, vector<1x1x1x16xf32>,
        %swap3A_536 = vector.shape_cast %swap3A_535 : vector<1x1x1x16xf32> to vector<16xf32>
        %swap3A_537 = vector.shape_cast %add3A_528 : vector<16xf32> to vector<1x1x1x16xf32>
        tpu.vector_store %arg7[%swap3A_531, %swap3A_532, %swap3A_533, %swap3A_534], %swap3A_537 {strides = array<i32>} : memref<2x4x200x64xf32, #tpu.memory_space<vmem>>, vector<1x1x1x16xf32>,
        %get3A_538 = arith.constant 0 : i32
        %get3A_539 = arith.constant 3 : i32
        %get3A_540 = arith.index_cast %get3A_538 : i32 to index
        %get3A_541 = arith.index_cast %get3A_539 : i32 to index
        %get3A_542 = arith.index_cast %scan3A_472 : i32 to index
        %get3A_543 = arith.constant 0 : index
        %get3A_544 = tpu.vector_load %arg7[%get3A_540, %get3A_541, %get3A_542, %get3A_543] {strides = array<i32>} : memref<2x4x200x64xf32, #tpu.memory_space<vmem>>, vector<1x1x1x16xf32>,
        %get3A_545 = vector.shape_cast %get3A_544 : vector<1x1x1x16xf32> to vector<16xf32>
        %mul3A_546 = arith.constant 8.000000e+00 : f32
        %mul3A_547 = vector.broadcast %mul3A_546 : f32 to vector<16xf32>
        %mul3A_548 = arith.mulf %get3A_545, %mul3A_547 : vector<16xf32>
        %add3A_549 = arith.addf %mul3A_548, %get3A_475 : vector<16xf32>
        %swap3A_550 = arith.constant 0 : i32
        %swap3A_551 = arith.constant 3 : i32
        %swap3A_552 = arith.index_cast %swap3A_550 : i32 to index
        %swap3A_553 = arith.index_cast %swap3A_551 : i32 to index
        %swap3A_554 = arith.index_cast %scan3A_472 : i32 to index
        %swap3A_555 = arith.constant 0 : index
        %swap3A_556 = tpu.vector_load %arg7[%swap3A_552, %swap3A_553, %swap3A_554, %swap3A_555] {strides = array<i32>} : memref<2x4x200x64xf32, #tpu.memory_space<vmem>>, vector<1x1x1x16xf32>,
        %swap3A_557 = vector.shape_cast %swap3A_556 : vector<1x1x1x16xf32> to vector<16xf32>
        %swap3A_558 = vector.shape_cast %add3A_549 : vector<16xf32> to vector<1x1x1x16xf32>
        tpu.vector_store %arg7[%swap3A_552, %swap3A_553, %swap3A_554, %swap3A_555], %swap3A_558 {strides = array<i32>} : memref<2x4x200x64xf32, #tpu.memory_space<vmem>>, vector<1x1x1x16xf32>,
        %get3A_559 = arith.index_cast %scan3A_472 : i32 to index
        %get3A_560 = arith.constant 16 : index
        %get3A_561 = tpu.vector_load %arg8[%get3A_559, %get3A_560] {strides = array<i32>} : memref<200x64xf32, #tpu.memory_space<vmem>>, vector<1x16xf32>,
        %get3A_562 = vector.shape_cast %get3A_561 : vector<1x16xf32> to vector<16xf32>
        %get3A_563 = arith.constant 0 : i32
        %get3A_564 = arith.constant 0 : i32
        %get3A_565 = arith.index_cast %get3A_563 : i32 to index
        %get3A_566 = arith.index_cast %get3A_564 : i32 to index
        %get3A_567 = arith.index_cast %scan3A_472 : i32 to index
        %get3A_568 = arith.constant 16 : index
        %get3A_569 = tpu.vector_load %arg7[%get3A_565, %get3A_566, %get3A_567, %get3A_568] {strides = array<i32>} : memref<2x4x200x64xf32, #tpu.memory_space<vmem>>, vector<1x1x1x16xf32>,
        %get3A_570 = vector.shape_cast %get3A_569 : vector<1x1x1x16xf32> to vector<16xf32>
        %mul3A_571 = arith.constant 8.000000e+00 : f32
        %mul3A_572 = vector.broadcast %mul3A_571 : f32 to vector<16xf32>
        %mul3A_573 = arith.mulf %get3A_570, %mul3A_572 : vector<16xf32>
        %add3A_574 = arith.addf %mul3A_573, %get3A_562 : vector<16xf32>
        %swap3A_575 = arith.constant 0 : i32
        %swap3A_576 = arith.constant 0 : i32
        %swap3A_577 = arith.index_cast %swap3A_575 : i32 to index
        %swap3A_578 = arith.index_cast %swap3A_576 : i32 to index
        %swap3A_579 = arith.index_cast %scan3A_472 : i32 to index
        %swap3A_580 = arith.constant 16 : index
        %swap3A_581 = tpu.vector_load %arg7[%swap3A_577, %swap3A_578, %swap3A_579, %swap3A_580] {strides = array<i32>} : memref<2x4x200x64xf32, #tpu.memory_space<vmem>>, vector<1x1x1x16xf32>,
        %swap3A_582 = vector.shape_cast %swap3A_581 : vector<1x1x1x16xf32> to vector<16xf32>
        %swap3A_583 = vector.shape_cast %add3A_574 : vector<16xf32> to vector<1x1x1x16xf32>
        tpu.vector_store %arg7[%swap3A_577, %swap3A_578, %swap3A_579, %swap3A_580], %swap3A_583 {strides = array<i32>} : memref<2x4x200x64xf32, #tpu.memory_space<vmem>>, vector<1x1x1x16xf32>,
        %get3A_584 = arith.constant 0 : i32
        %get3A_585 = arith.constant 1 : i32
        %get3A_586 = arith.index_cast %get3A_584 : i32 to index
        %get3A_587 = arith.index_cast %get3A_585 : i32 to index
        %get3A_588 = arith.index_cast %scan3A_472 : i32 to index
        %get3A_589 = arith.constant 16 : index
        %get3A_590 = tpu.vector_load %arg7[%get3A_586, %get3A_587, %get3A_588, %get3A_589] {strides = array<i32>} : memref<2x4x200x64xf32, #tpu.memory_space<vmem>>, vector<1x1x1x16xf32>,
        %get3A_591 = vector.shape_cast %get3A_590 : vector<1x1x1x16xf32> to vector<16xf32>
        %mul3A_592 = arith.constant 8.000000e+00 : f32
        %mul3A_593 = vector.broadcast %mul3A_592 : f32 to vector<16xf32>
        %mul3A_594 = arith.mulf %get3A_591, %mul3A_593 : vector<16xf32>
        %add3A_595 = arith.addf %mul3A_594, %get3A_562 : vector<16xf32>
        %swap3A_596 = arith.constant 0 : i32
        %swap3A_597 = arith.constant 1 : i32
        %swap3A_598 = arith.index_cast %swap3A_596 : i32 to index
        %swap3A_599 = arith.index_cast %swap3A_597 : i32 to index
        %swap3A_600 = arith.index_cast %scan3A_472 : i32 to index
        %swap3A_601 = arith.constant 16 : index
        %swap3A_602 = tpu.vector_load %arg7[%swap3A_598, %swap3A_599, %swap3A_600, %swap3A_601] {strides = array<i32>} : memref<2x4x200x64xf32, #tpu.memory_space<vmem>>, vector<1x1x1x16xf32>,
        %swap3A_603 = vector.shape_cast %swap3A_602 : vector<1x1x1x16xf32> to vector<16xf32>
        %swap3A_604 = vector.shape_cast %add3A_595 : vector<16xf32> to vector<1x1x1x16xf32>
        tpu.vector_store %arg7[%swap3A_598, %swap3A_599, %swap3A_600, %swap3A_601], %swap3A_604 {strides = array<i32>} : memref<2x4x200x64xf32, #tpu.memory_space<vmem>>, vector<1x1x1x16xf32>,
        %get3A_605 = arith.constant 0 : i32
        %get3A_606 = arith.constant 2 : i32
        %get3A_607 = arith.index_cast %get3A_605 : i32 to index
        %get3A_608 = arith.index_cast %get3A_606 : i32 to index
        %get3A_609 = arith.index_cast %scan3A_472 : i32 to index
        %get3A_610 = arith.constant 16 : index
        %get3A_611 = tpu.vector_load %arg7[%get3A_607, %get3A_608, %get3A_609, %get3A_610] {strides = array<i32>} : memref<2x4x200x64xf32, #tpu.memory_space<vmem>>, vector<1x1x1x16xf32>,
        %get3A_612 = vector.shape_cast %get3A_611 : vector<1x1x1x16xf32> to vector<16xf32>
        %mul3A_613 = arith.constant 8.000000e+00 : f32
        %mul3A_614 = vector.broadcast %mul3A_613 : f32 to vector<16xf32>
        %mul3A_615 = arith.mulf %get3A_612, %mul3A_614 : vector<16xf32>
        %add3A_616 = arith.addf %mul3A_615, %get3A_562 : vector<16xf32>
        %swap3A_617 = arith.constant 0 : i32
        %swap3A_618 = arith.constant 2 : i32
        %swap3A_619 = arith.index_cast %swap3A_617 : i32 to index
        %swap3A_620 = arith.index_cast %swap3A_618 : i32 to index
        %swap3A_621 = arith.index_cast %scan3A_472 : i32 to index
        %swap3A_622 = arith.constant 16 : index
        %swap3A_623 = tpu.vector_load %arg7[%swap3A_619, %swap3A_620, %swap3A_621, %swap3A_622] {strides = array<i32>} : memref<2x4x200x64xf32, #tpu.memory_space<vmem>>, vector<1x1x1x16xf32>,
        %swap3A_624 = vector.shape_cast %swap3A_623 : vector<1x1x1x16xf32> to vector<16xf32>
        %swap3A_625 = vector.shape_cast %add3A_616 : vector<16xf32> to vector<1x1x1x16xf32>
        tpu.vector_store %arg7[%swap3A_619, %swap3A_620, %swap3A_621, %swap3A_622], %swap3A_625 {strides = array<i32>} : memref<2x4x200x64xf32, #tpu.memory_space<vmem>>, vector<1x1x1x16xf32>,
        %get3A_626 = arith.constant 0 : i32
        %get3A_627 = arith.constant 3 : i32
        %get3A_628 = arith.index_cast %get3A_626 : i32 to index
        %get3A_629 = arith.index_cast %get3A_627 : i32 to index
        %get3A_630 = arith.index_cast %scan3A_472 : i32 to index
        %get3A_631 = arith.constant 16 : index
        %get3A_632 = tpu.vector_load %arg7[%get3A_628, %get3A_629, %get3A_630, %get3A_631] {strides = array<i32>} : memref<2x4x200x64xf32, #tpu.memory_space<vmem>>, vector<1x1x1x16xf32>,
        %get3A_633 = vector.shape_cast %get3A_632 : vector<1x1x1x16xf32> to vector<16xf32>
        %mul3A_634 = arith.constant 8.000000e+00 : f32
        %mul3A_635 = vector.broadcast %mul3A_634 : f32 to vector<16xf32>
        %mul3A_636 = arith.mulf %get3A_633, %mul3A_635 : vector<16xf32>
        %add3A_637 = arith.addf %mul3A_636, %get3A_562 : vector<16xf32>
        %swap3A_638 = arith.constant 0 : i32
        %swap3A_639 = arith.constant 3 : i32
        %swap3A_640 = arith.index_cast %swap3A_638 : i32 to index
        %swap3A_641 = arith.index_cast %swap3A_639 : i32 to index
        %swap3A_642 = arith.index_cast %scan3A_472 : i32 to index
        %swap3A_643 = arith.constant 16 : index
        %swap3A_644 = tpu.vector_load %arg7[%swap3A_640, %swap3A_641, %swap3A_642, %swap3A_643] {strides = array<i32>} : memref<2x4x200x64xf32, #tpu.memory_space<vmem>>, vector<1x1x1x16xf32>,
        %swap3A_645 = vector.shape_cast %swap3A_644 : vector<1x1x1x16xf32> to vector<16xf32>
        %swap3A_646 = vector.shape_cast %add3A_637 : vector<16xf32> to vector<1x1x1x16xf32>
        tpu.vector_store %arg7[%swap3A_640, %swap3A_641, %swap3A_642, %swap3A_643], %swap3A_646 {strides = array<i32>} : memref<2x4x200x64xf32, #tpu.memory_space<vmem>>, vector<1x1x1x16xf32>,
        %get3A_647 = arith.index_cast %scan3A_472 : i32 to index
        %get3A_648 = arith.constant 32 : index
        %get3A_649 = tpu.vector_load %arg8[%get3A_647, %get3A_648] {strides = array<i32>} : memref<200x64xf32, #tpu.memory_space<vmem>>, vector<1x16xf32>,
        %get3A_650 = vector.shape_cast %get3A_649 : vector<1x16xf32> to vector<16xf32>
        %get3A_651 = arith.constant 0 : i32
        %get3A_652 = arith.constant 0 : i32
        %get3A_653 = arith.index_cast %get3A_651 : i32 to index
        %get3A_654 = arith.index_cast %get3A_652 : i32 to index
        %get3A_655 = arith.index_cast %scan3A_472 : i32 to index
        %get3A_656 = arith.constant 32 : index
        %get3A_657 = tpu.vector_load %arg7[%get3A_653, %get3A_654, %get3A_655, %get3A_656] {strides = array<i32>} : memref<2x4x200x64xf32, #tpu.memory_space<vmem>>, vector<1x1x1x16xf32>,
        %get3A_658 = vector.shape_cast %get3A_657 : vector<1x1x1x16xf32> to vector<16xf32>
        %mul3A_659 = arith.constant 8.000000e+00 : f32
        %mul3A_660 = vector.broadcast %mul3A_659 : f32 to vector<16xf32>
        %mul3A_661 = arith.mulf %get3A_658, %mul3A_660 : vector<16xf32>
        %add3A_662 = arith.addf %mul3A_661, %get3A_650 : vector<16xf32>
        %swap3A_663 = arith.constant 0 : i32
        %swap3A_664 = arith.constant 0 : i32
        %swap3A_665 = arith.index_cast %swap3A_663 : i32 to index
        %swap3A_666 = arith.index_cast %swap3A_664 : i32 to index
        %swap3A_667 = arith.index_cast %scan3A_472 : i32 to index
        %swap3A_668 = arith.constant 32 : index
        %swap3A_669 = tpu.vector_load %arg7[%swap3A_665, %swap3A_666, %swap3A_667, %swap3A_668] {strides = array<i32>} : memref<2x4x200x64xf32, #tpu.memory_space<vmem>>, vector<1x1x1x16xf32>,
        %swap3A_670 = vector.shape_cast %swap3A_669 : vector<1x1x1x16xf32> to vector<16xf32>
        %swap3A_671 = vector.shape_cast %add3A_662 : vector<16xf32> to vector<1x1x1x16xf32>
        tpu.vector_store %arg7[%swap3A_665, %swap3A_666, %swap3A_667, %swap3A_668], %swap3A_671 {strides = array<i32>} : memref<2x4x200x64xf32, #tpu.memory_space<vmem>>, vector<1x1x1x16xf32>,
        %get3A_672 = arith.constant 0 : i32
        %get3A_673 = arith.constant 1 : i32
        %get3A_674 = arith.index_cast %get3A_672 : i32 to index
        %get3A_675 = arith.index_cast %get3A_673 : i32 to index
        %get3A_676 = arith.index_cast %scan3A_472 : i32 to index
        %get3A_677 = arith.constant 32 : index
        %get3A_678 = tpu.vector_load %arg7[%get3A_674, %get3A_675, %get3A_676, %get3A_677] {strides = array<i32>} : memref<2x4x200x64xf32, #tpu.memory_space<vmem>>, vector<1x1x1x16xf32>,
        %get3A_679 = vector.shape_cast %get3A_678 : vector<1x1x1x16xf32> to vector<16xf32>
        %mul3A_680 = arith.constant 8.000000e+00 : f32
        %mul3A_681 = vector.broadcast %mul3A_680 : f32 to vector<16xf32>
        %mul3A_682 = arith.mulf %get3A_679, %mul3A_681 : vector<16xf32>
        %add3A_683 = arith.addf %mul3A_682, %get3A_650 : vector<16xf32>
        %swap3A_684 = arith.constant 0 : i32
        %swap3A_685 = arith.constant 1 : i32
        %swap3A_686 = arith.index_cast %swap3A_684 : i32 to index
        %swap3A_687 = arith.index_cast %swap3A_685 : i32 to index
        %swap3A_688 = arith.index_cast %scan3A_472 : i32 to index
        %swap3A_689 = arith.constant 32 : index
        %swap3A_690 = tpu.vector_load %arg7[%swap3A_686, %swap3A_687, %swap3A_688, %swap3A_689] {strides = array<i32>} : memref<2x4x200x64xf32, #tpu.memory_space<vmem>>, vector<1x1x1x16xf32>,
        %swap3A_691 = vector.shape_cast %swap3A_690 : vector<1x1x1x16xf32> to vector<16xf32>
        %swap3A_692 = vector.shape_cast %add3A_683 : vector<16xf32> to vector<1x1x1x16xf32>
        tpu.vector_store %arg7[%swap3A_686, %swap3A_687, %swap3A_688, %swap3A_689], %swap3A_692 {strides = array<i32>} : memref<2x4x200x64xf32, #tpu.memory_space<vmem>>, vector<1x1x1x16xf32>,
        %get3A_693 = arith.constant 0 : i32
        %get3A_694 = arith.constant 2 : i32
        %get3A_695 = arith.index_cast %get3A_693 : i32 to index
        %get3A_696 = arith.index_cast %get3A_694 : i32 to index
        %get3A_697 = arith.index_cast %scan3A_472 : i32 to index
        %get3A_698 = arith.constant 32 : index
        %get3A_699 = tpu.vector_load %arg7[%get3A_695, %get3A_696, %get3A_697, %get3A_698] {strides = array<i32>} : memref<2x4x200x64xf32, #tpu.memory_space<vmem>>, vector<1x1x1x16xf32>,
        %get3A_700 = vector.shape_cast %get3A_699 : vector<1x1x1x16xf32> to vector<16xf32>
        %mul3A_701 = arith.constant 8.000000e+00 : f32
        %mul3A_702 = vector.broadcast %mul3A_701 : f32 to vector<16xf32>
        %mul3A_703 = arith.mulf %get3A_700, %mul3A_702 : vector<16xf32>
        %add3A_704 = arith.addf %mul3A_703, %get3A_650 : vector<16xf32>
        %swap3A_705 = arith.constant 0 : i32
        %swap3A_706 = arith.constant 2 : i32
        %swap3A_707 = arith.index_cast %swap3A_705 : i32 to index
        %swap3A_708 = arith.index_cast %swap3A_706 : i32 to index
        %swap3A_709 = arith.index_cast %scan3A_472 : i32 to index
        %swap3A_710 = arith.constant 32 : index
        %swap3A_711 = tpu.vector_load %arg7[%swap3A_707, %swap3A_708, %swap3A_709, %swap3A_710] {strides = array<i32>} : memref<2x4x200x64xf32, #tpu.memory_space<vmem>>, vector<1x1x1x16xf32>,
        %swap3A_712 = vector.shape_cast %swap3A_711 : vector<1x1x1x16xf32> to vector<16xf32>
        %swap3A_713 = vector.shape_cast %add3A_704 : vector<16xf32> to vector<1x1x1x16xf32>
        tpu.vector_store %arg7[%swap3A_707, %swap3A_708, %swap3A_709, %swap3A_710], %swap3A_713 {strides = array<i32>} : memref<2x4x200x64xf32, #tpu.memory_space<vmem>>, vector<1x1x1x16xf32>,
        %get3A_714 = arith.constant 0 : i32
        %get3A_715 = arith.constant 3 : i32
        %get3A_716 = arith.index_cast %get3A_714 : i32 to index
        %get3A_717 = arith.index_cast %get3A_715 : i32 to index
        %get3A_718 = arith.index_cast %scan3A_472 : i32 to index
        %get3A_719 = arith.constant 32 : index
        %get3A_720 = tpu.vector_load %arg7[%get3A_716, %get3A_717, %get3A_718, %get3A_719] {strides = array<i32>} : memref<2x4x200x64xf32, #tpu.memory_space<vmem>>, vector<1x1x1x16xf32>,
        %get3A_721 = vector.shape_cast %get3A_720 : vector<1x1x1x16xf32> to vector<16xf32>
        %mul3A_722 = arith.constant 8.000000e+00 : f32
        %mul3A_723 = vector.broadcast %mul3A_722 : f32 to vector<16xf32>
        %mul3A_724 = arith.mulf %get3A_721, %mul3A_723 : vector<16xf32>
        %add3A_725 = arith.addf %mul3A_724, %get3A_650 : vector<16xf32>
        %swap3A_726 = arith.constant 0 : i32
        %swap3A_727 = arith.constant 3 : i32
        %swap3A_728 = arith.index_cast %swap3A_726 : i32 to index
        %swap3A_729 = arith.index_cast %swap3A_727 : i32 to index
        %swap3A_730 = arith.index_cast %scan3A_472 : i32 to index
        %swap3A_731 = arith.constant 32 : index
        %swap3A_732 = tpu.vector_load %arg7[%swap3A_728, %swap3A_729, %swap3A_730, %swap3A_731] {strides = array<i32>} : memref<2x4x200x64xf32, #tpu.memory_space<vmem>>, vector<1x1x1x16xf32>,
        %swap3A_733 = vector.shape_cast %swap3A_732 : vector<1x1x1x16xf32> to vector<16xf32>
        %swap3A_734 = vector.shape_cast %add3A_725 : vector<16xf32> to vector<1x1x1x16xf32>
        tpu.vector_store %arg7[%swap3A_728, %swap3A_729, %swap3A_730, %swap3A_731], %swap3A_734 {strides = array<i32>} : memref<2x4x200x64xf32, #tpu.memory_space<vmem>>, vector<1x1x1x16xf32>,
        %get3A_735 = arith.index_cast %scan3A_472 : i32 to index
        %get3A_736 = arith.constant 48 : index
        %get3A_737 = tpu.vector_load %arg8[%get3A_735, %get3A_736] {strides = array<i32>} : memref<200x64xf32, #tpu.memory_space<vmem>>, vector<1x16xf32>,
        %get3A_738 = vector.shape_cast %get3A_737 : vector<1x16xf32> to vector<16xf32>
        %get3A_739 = arith.constant 0 : i32
        %get3A_740 = arith.constant 0 : i32
        %get3A_741 = arith.index_cast %get3A_739 : i32 to index
        %get3A_742 = arith.index_cast %get3A_740 : i32 to index
        %get3A_743 = arith.index_cast %scan3A_472 : i32 to index
        %get3A_744 = arith.constant 48 : index
        %get3A_745 = tpu.vector_load %arg7[%get3A_741, %get3A_742, %get3A_743, %get3A_744] {strides = array<i32>} : memref<2x4x200x64xf32, #tpu.memory_space<vmem>>, vector<1x1x1x16xf32>,
        %get3A_746 = vector.shape_cast %get3A_745 : vector<1x1x1x16xf32> to vector<16xf32>
        %mul3A_747 = arith.constant 8.000000e+00 : f32
        %mul3A_748 = vector.broadcast %mul3A_747 : f32 to vector<16xf32>
        %mul3A_749 = arith.mulf %get3A_746, %mul3A_748 : vector<16xf32>
        %add3A_750 = arith.addf %mul3A_749, %get3A_738 : vector<16xf32>
        %swap3A_751 = arith.constant 0 : i32
        %swap3A_752 = arith.constant 0 : i32
        %swap3A_753 = arith.index_cast %swap3A_751 : i32 to index
        %swap3A_754 = arith.index_cast %swap3A_752 : i32 to index
        %swap3A_755 = arith.index_cast %scan3A_472 : i32 to index
        %swap3A_756 = arith.constant 48 : index
        %swap3A_757 = tpu.vector_load %arg7[%swap3A_753, %swap3A_754, %swap3A_755, %swap3A_756] {strides = array<i32>} : memref<2x4x200x64xf32, #tpu.memory_space<vmem>>, vector<1x1x1x16xf32>,
        %swap3A_758 = vector.shape_cast %swap3A_757 : vector<1x1x1x16xf32> to vector<16xf32>
        %swap3A_759 = vector.shape_cast %add3A_750 : vector<16xf32> to vector<1x1x1x16xf32>
        tpu.vector_store %arg7[%swap3A_753, %swap3A_754, %swap3A_755, %swap3A_756], %swap3A_759 {strides = array<i32>} : memref<2x4x200x64xf32, #tpu.memory_space<vmem>>, vector<1x1x1x16xf32>,
        %get3A_760 = arith.constant 0 : i32
        %get3A_761 = arith.constant 1 : i32
        %get3A_762 = arith.index_cast %get3A_760 : i32 to index
        %get3A_763 = arith.index_cast %get3A_761 : i32 to index
        %get3A_764 = arith.index_cast %scan3A_472 : i32 to index
        %get3A_765 = arith.constant 48 : index
        %get3A_766 = tpu.vector_load %arg7[%get3A_762, %get3A_763, %get3A_764, %get3A_765] {strides = array<i32>} : memref<2x4x200x64xf32, #tpu.memory_space<vmem>>, vector<1x1x1x16xf32>,
        %get3A_767 = vector.shape_cast %get3A_766 : vector<1x1x1x16xf32> to vector<16xf32>
        %mul3A_768 = arith.constant 8.000000e+00 : f32
        %mul3A_769 = vector.broadcast %mul3A_768 : f32 to vector<16xf32>
        %mul3A_770 = arith.mulf %get3A_767, %mul3A_769 : vector<16xf32>
        %add3A_771 = arith.addf %mul3A_770, %get3A_738 : vector<16xf32>
        %swap3A_772 = arith.constant 0 : i32
        %swap3A_773 = arith.constant 1 : i32
        %swap3A_774 = arith.index_cast %swap3A_772 : i32 to index
        %swap3A_775 = arith.index_cast %swap3A_773 : i32 to index
        %swap3A_776 = arith.index_cast %scan3A_472 : i32 to index
        %swap3A_777 = arith.constant 48 : index
        %swap3A_778 = tpu.vector_load %arg7[%swap3A_774, %swap3A_775, %swap3A_776, %swap3A_777] {strides = array<i32>} : memref<2x4x200x64xf32, #tpu.memory_space<vmem>>, vector<1x1x1x16xf32>,
        %swap3A_779 = vector.shape_cast %swap3A_778 : vector<1x1x1x16xf32> to vector<16xf32>
        %swap3A_780 = vector.shape_cast %add3A_771 : vector<16xf32> to vector<1x1x1x16xf32>
        tpu.vector_store %arg7[%swap3A_774, %swap3A_775, %swap3A_776, %swap3A_777], %swap3A_780 {strides = array<i32>} : memref<2x4x200x64xf32, #tpu.memory_space<vmem>>, vector<1x1x1x16xf32>,
        %get3A_781 = arith.constant 0 : i32
        %get3A_782 = arith.constant 2 : i32
        %get3A_783 = arith.index_cast %get3A_781 : i32 to index
        %get3A_784 = arith.index_cast %get3A_782 : i32 to index
        %get3A_785 = arith.index_cast %scan3A_472 : i32 to index
        %get3A_786 = arith.constant 48 : index
        %get3A_787 = tpu.vector_load %arg7[%get3A_783, %get3A_784, %get3A_785, %get3A_786] {strides = array<i32>} : memref<2x4x200x64xf32, #tpu.memory_space<vmem>>, vector<1x1x1x16xf32>,
        %get3A_788 = vector.shape_cast %get3A_787 : vector<1x1x1x16xf32> to vector<16xf32>
        %mul3A_789 = arith.constant 8.000000e+00 : f32
        %mul3A_790 = vector.broadcast %mul3A_789 : f32 to vector<16xf32>
        %mul3A_791 = arith.mulf %get3A_788, %mul3A_790 : vector<16xf32>
        %add3A_792 = arith.addf %mul3A_791, %get3A_738 : vector<16xf32>
        %swap3A_793 = arith.constant 0 : i32
        %swap3A_794 = arith.constant 2 : i32
        %swap3A_795 = arith.index_cast %swap3A_793 : i32 to index
        %swap3A_796 = arith.index_cast %swap3A_794 : i32 to index
        %swap3A_797 = arith.index_cast %scan3A_472 : i32 to index
        %swap3A_798 = arith.constant 48 : index
        %swap3A_799 = tpu.vector_load %arg7[%swap3A_795, %swap3A_796, %swap3A_797, %swap3A_798] {strides = array<i32>} : memref<2x4x200x64xf32, #tpu.memory_space<vmem>>, vector<1x1x1x16xf32>,
        %swap3A_800 = vector.shape_cast %swap3A_799 : vector<1x1x1x16xf32> to vector<16xf32>
        %swap3A_801 = vector.shape_cast %add3A_792 : vector<16xf32> to vector<1x1x1x16xf32>
        tpu.vector_store %arg7[%swap3A_795, %swap3A_796, %swap3A_797, %swap3A_798], %swap3A_801 {strides = array<i32>} : memref<2x4x200x64xf32, #tpu.memory_space<vmem>>, vector<1x1x1x16xf32>,
        %get3A_802 = arith.constant 0 : i32
        %get3A_803 = arith.constant 3 : i32
        %get3A_804 = arith.index_cast %get3A_802 : i32 to index
        %get3A_805 = arith.index_cast %get3A_803 : i32 to index
        %get3A_806 = arith.index_cast %scan3A_472 : i32 to index
        %get3A_807 = arith.constant 48 : index
        %get3A_808 = tpu.vector_load %arg7[%get3A_804, %get3A_805, %get3A_806, %get3A_807] {strides = array<i32>} : memref<2x4x200x64xf32, #tpu.memory_space<vmem>>, vector<1x1x1x16xf32>,
        %get3A_809 = vector.shape_cast %get3A_808 : vector<1x1x1x16xf32> to vector<16xf32>
        %mul3A_810 = arith.constant 8.000000e+00 : f32
        %mul3A_811 = vector.broadcast %mul3A_810 : f32 to vector<16xf32>
        %mul3A_812 = arith.mulf %get3A_809, %mul3A_811 : vector<16xf32>
        %add3A_813 = arith.addf %mul3A_812, %get3A_738 : vector<16xf32>
        %swap3A_814 = arith.constant 0 : i32
        %swap3A_815 = arith.constant 3 : i32
        %swap3A_816 = arith.index_cast %swap3A_814 : i32 to index
        %swap3A_817 = arith.index_cast %swap3A_815 : i32 to index
        %swap3A_818 = arith.index_cast %scan3A_472 : i32 to index
        %swap3A_819 = arith.constant 48 : index
        %swap3A_820 = tpu.vector_load %arg7[%swap3A_816, %swap3A_817, %swap3A_818, %swap3A_819] {strides = array<i32>} : memref<2x4x200x64xf32, #tpu.memory_space<vmem>>, vector<1x1x1x16xf32>,
        %swap3A_821 = vector.shape_cast %swap3A_820 : vector<1x1x1x16xf32> to vector<16xf32>
        %swap3A_822 = vector.shape_cast %add3A_813 : vector<16xf32> to vector<1x1x1x16xf32>
        tpu.vector_store %arg7[%swap3A_816, %swap3A_817, %swap3A_818, %swap3A_819], %swap3A_822 {strides = array<i32>} : memref<2x4x200x64xf32, #tpu.memory_space<vmem>>, vector<1x1x1x16xf32>,
      }
      %scan3A_277 = arith.constant 200 : i32
      %mul3A_278 = arith.constant 32 : i32
      %mul3A_279 = arith.muli %add3A, %mul3A_278 : i32
      %mul3A_280 = arith.constant 4 : i32
      %mul3A_281 = arith.muli %add3A_135, %mul3A_280 : i32
      %add3A_282 = arith.addi %mul3A_279, %mul3A_281 : i32
      %dma_start3A_283 = arith.constant 0 : i32
      %dma_start3A_284 = arith.constant 0 : i32
      %dma_start3A_285 = arith.constant 0 : i32
      %dma_start3A_286 = arith.constant 0 : i32
      %dma_start3A_287 = tpu.memref_slice %arg7[%dma_start3A_283, %dma_start3A_284, %dma_start3A_285, %dma_start3A_286] : memref<2x4x200x64xf32, #tpu.memory_space<vmem>> -> memref<1x4x200x64xf32, #tpu.memory_space<vmem>>
      %dma_start3A_288 = tpu.memref_squeeze %dma_start3A_287 : memref<1x4x200x64xf32, #tpu.memory_space<vmem>> -> memref<4x200x64xf32, #tpu.memory_space<vmem>>
      %dma_start3A_289 = arith.constant 0 : i32
      %dma_start3A_290 = arith.constant 0 : i32
      %dma_start3A_291 = tpu.memref_slice %arg5[%add3A_282, %dma_start3A_289, %dma_start3A_290] : memref<1024x200x128xf32, #tpu.memory_space<hbm>> -> memref<4x200x64xf32, #tpu.memory_space<hbm>>
      %dma_start3A_292 = arith.constant 0 : i32
      %dma_start3A_293 = arith.constant 0 : i32
      %dma_start3A_294 = tpu.memref_slice %arg5[%add3A_282, %dma_start3A_292, %dma_start3A_293] : memref<1024x200x128xf32, #tpu.memory_space<hbm>> -> memref<4x200x64xf32, #tpu.memory_space<hbm>>
      %dma_start3A_295 = arith.constant 0 : i32
      %dma_start3A_296 = arith.constant 0 : i32
      %dma_start3A_297 = arith.constant 0 : i32
      %dma_start3A_298 = tpu.memref_slice %arg7[%dma_start3A_283, %dma_start3A_295, %dma_start3A_296, %dma_start3A_297] : memref<2x4x200x64xf32, #tpu.memory_space<vmem>> -> memref<1x4x200x64xf32, #tpu.memory_space<vmem>>
      %dma_start3A_299 = tpu.memref_squeeze %dma_start3A_298 : memref<1x4x200x64xf32, #tpu.memory_space<vmem>> -> memref<4x200x64xf32, #tpu.memory_space<vmem>>
      tpu.enqueue_dma source(%dma_start3A_299 : memref<4x200x64xf32, #tpu.memory_space<vmem>>) target(%dma_start3A_294 : memref<4x200x64xf32, #tpu.memory_space<hbm>>) target_semaphore(%arg11 : memref<!tpu.dma_semaphore, #tpu.memory_space<semaphore_mem>>)
      %mul3A_300 = arith.constant 2 : i32
      %mul3A_301 = arith.muli %mul3A_300, %scan3A_131 : i32
      %add3A_302 = arith.constant 1 : i32
      %add3A_303 = arith.addi %mul3A_301, %add3A_302 : i32
      %ge3A_304 = arith.constant 1 : i32
      %ge3A_305 = arith.cmpi sge, %add3A_303, %ge3A_304 : i32
      %convert_element_type3A_306 = arith.extui %ge3A_305 : i1 to i32
      %cond3A_307 = arith.constant 0 : i32
      %cond3A_308 = arith.cmpi ne, %convert_element_type3A_306, %cond3A_307 : i32
      scf.if %cond3A_308 {
        %sub3A = arith.constant 1 : i32
        %sub3A_472 = arith.subi %add3A_303, %sub3A : i32
        %mul3A_473 = arith.constant 32 : i32
        %mul3A_474 = arith.muli %add3A, %mul3A_473 : i32
        %mul3A_475 = arith.constant 4 : i32
        %mul3A_476 = arith.muli %sub3A_472, %mul3A_475 : i32
        %add3A_477 = arith.addi %mul3A_474, %mul3A_476 : i32
        %dma_wait3A_478 = arith.constant 0 : i32
        %dma_wait3A_479 = arith.constant 0 : i32
        %dma_wait3A_480 = arith.constant 0 : i32
        %dma_wait3A_481 = arith.constant 0 : i32
        %dma_wait3A_482 = tpu.memref_slice %arg7[%dma_wait3A_478, %dma_wait3A_479, %dma_wait3A_480, %dma_wait3A_481] : memref<2x4x200x64xf32, #tpu.memory_space<vmem>> -> memref<1x4x200x64xf32, #tpu.memory_space<vmem>>
        %dma_wait3A_483 = tpu.memref_squeeze %dma_wait3A_482 : memref<1x4x200x64xf32, #tpu.memory_space<vmem>> -> memref<4x200x64xf32, #tpu.memory_space<vmem>>
        %dma_wait3A_484 = arith.constant 0 : i32
        %dma_wait3A_485 = arith.constant 0 : i32
        %dma_wait3A_486 = tpu.memref_slice %arg5[%add3A_477, %dma_wait3A_484, %dma_wait3A_485] : memref<1024x200x128xf32, #tpu.memory_space<hbm>> -> memref<4x200x64xf32, #tpu.memory_space<hbm>>
        %dma_wait3A_487 = arith.constant 0 : i32
        %dma_wait3A_488 = arith.constant 0 : i32
        %dma_wait3A_489 = tpu.memref_slice %arg5[%add3A_477, %dma_wait3A_487, %dma_wait3A_488] : memref<1024x200x128xf32, #tpu.memory_space<hbm>> -> memref<4x200x64xf32, #tpu.memory_space<hbm>>
        %dma_wait3A_490 = arith.constant 0 : i32
        %dma_wait3A_491 = arith.constant 0 : i32
        %dma_wait3A_492 = arith.constant 0 : i32
        %dma_wait3A_493 = tpu.memref_slice %arg7[%dma_wait3A_478, %dma_wait3A_490, %dma_wait3A_491, %dma_wait3A_492] : memref<2x4x200x64xf32, #tpu.memory_space<vmem>> -> memref<1x4x200x64xf32, #tpu.memory_space<vmem>>
        %dma_wait3A_494 = tpu.memref_squeeze %dma_wait3A_493 : memref<1x4x200x64xf32, #tpu.memory_space<vmem>> -> memref<4x200x64xf32, #tpu.memory_space<vmem>>
        tpu.wait_dma2 semaphore(%arg11 : memref<!tpu.dma_semaphore, #tpu.memory_space<semaphore_mem>>) src(%dma_wait3A_494 : memref<4x200x64xf32, #tpu.memory_space<vmem>>) dst(%dma_wait3A_489 : memref<4x200x64xf32, #tpu.memory_space<hbm>>)
      } else {
      }
      %add3A_309 = arith.constant 1 : i32
      %add3A_310 = arith.addi %add3A_303, %add3A_309 : i32
      %lt3A_311 = arith.constant 8 : i32
      %lt3A_312 = arith.cmpi slt, %add3A_310, %lt3A_311 : i32
      %convert_element_type3A_313 = arith.extui %lt3A_312 : i1 to i32
      %cond3A_314 = arith.constant 0 : i32
      %cond3A_315 = arith.cmpi ne, %convert_element_type3A_313, %cond3A_314 : i32
      scf.if %cond3A_315 {
        %add3A_472 = arith.constant 1 : i32
        %add3A_473 = arith.addi %add3A_303, %add3A_472 : i32
        %mul3A_474 = arith.constant 8 : i32
        %mul3A_475 = arith.muli %add3A_473, %mul3A_474 : i32
        %add3A_476 = arith.constant 0 : i32
        %add3A_477 = arith.addi %mul3A_475, %add3A_476 : i32
        %mul3A_478 = arith.constant 8 : i32
        %mul3A_479 = arith.muli %add3A_473, %mul3A_478 : i32
        %add3A_480 = arith.constant 1 : i32
        %add3A_481 = arith.addi %mul3A_479, %add3A_480 : i32
        %mul3A_482 = arith.constant 8 : i32
        %mul3A_483 = arith.muli %add3A_473, %mul3A_482 : i32
        %add3A_484 = arith.constant 2 : i32
        %add3A_485 = arith.addi %mul3A_483, %add3A_484 : i32
        %mul3A_486 = arith.constant 8 : i32
        %mul3A_487 = arith.muli %add3A_473, %mul3A_486 : i32
        %add3A_488 = arith.constant 3 : i32
        %add3A_489 = arith.addi %mul3A_487, %add3A_488 : i32
        %mul3A_490 = arith.constant 8 : i32
        %mul3A_491 = arith.muli %add3A_473, %mul3A_490 : i32
        %add3A_492 = arith.constant 4 : i32
        %add3A_493 = arith.addi %mul3A_491, %add3A_492 : i32
        %mul3A_494 = arith.constant 8 : i32
        %mul3A_495 = arith.muli %add3A_473, %mul3A_494 : i32
        %add3A_496 = arith.constant 5 : i32
        %add3A_497 = arith.addi %mul3A_495, %add3A_496 : i32
        %mul3A_498 = arith.constant 8 : i32
        %mul3A_499 = arith.muli %add3A_473, %mul3A_498 : i32
        %add3A_500 = arith.constant 6 : i32
        %add3A_501 = arith.addi %mul3A_499, %add3A_500 : i32
        %mul3A_502 = arith.constant 8 : i32
        %mul3A_503 = arith.muli %add3A_473, %mul3A_502 : i32
        %add3A_504 = arith.constant 7 : i32
        %add3A_505 = arith.addi %mul3A_503, %add3A_504 : i32
        %dma_start3A_506 = arith.constant 0 : i32
        %dma_start3A_507 = arith.constant 0 : i32
        %dma_start3A_508 = arith.constant 0 : i32
        %dma_start3A_509 = arith.constant 0 : i32
        %dma_start3A_510 = tpu.memref_slice %arg7[%dma_start3A_506, %dma_start3A_507, %dma_start3A_508, %dma_start3A_509] : memref<2x4x200x64xf32, #tpu.memory_space<vmem>> -> memref<1x1x100x64xf32, #tpu.memory_space<vmem>>
        %dma_start3A_511 = tpu.memref_squeeze %dma_start3A_510 : memref<1x1x100x64xf32, #tpu.memory_space<vmem>> -> memref<100x64xf32, #tpu.memory_space<vmem>>
        %dma_start3A_512 = arith.constant 0 : i32
        %dma_start3A_513 = tpu.memref_slice %arg6[%add3A_477, %dma_start3A_512] : memref<64x100xi32, #tpu.memory_space<vmem>> -> memref<1x100xi32, #tpu.memory_space<vmem>>
        %dma_start3A_514 = tpu.memref_squeeze %dma_start3A_513 : memref<1x100xi32, #tpu.memory_space<vmem>> -> memref<100xi32, #tpu.memory_space<vmem>>
        %dma_start3A_515 = arith.constant 0 : i32
        %dma_start3A_516 = arith.constant 0 : i32
        %dma_start3A_517 = tpu.memref_slice %arg3[%dma_start3A_515, %dma_start3A_516] : memref<1000000x64xf32, #tpu.memory_space<hbm>> -> memref<1000000x64xf32, #tpu.memory_space<hbm>>
        tpu.enqueue_indirect_dma source(%dma_start3A_517 : memref<1000000x64xf32, #tpu.memory_space<hbm>>) target(%dma_start3A_511 : memref<100x64xf32, #tpu.memory_space<vmem>>) offsets(%dma_start3A_514 : memref<100xi32, #tpu.memory_space<vmem>>) semaphore(%arg9 : memref<!tpu.dma_semaphore, #tpu.memory_space<semaphore_mem>>)
        %dma_start3A_518 = arith.constant 0 : i32
        %dma_start3A_519 = arith.constant 0 : i32
        %dma_start3A_520 = arith.constant 100 : i32
        %dma_start3A_521 = arith.constant 0 : i32
        %dma_start3A_522 = tpu.memref_slice %arg7[%dma_start3A_518, %dma_start3A_519, %dma_start3A_520, %dma_start3A_521] : memref<2x4x200x64xf32, #tpu.memory_space<vmem>> -> memref<1x1x100x64xf32, #tpu.memory_space<vmem>>
        %dma_start3A_523 = tpu.memref_squeeze %dma_start3A_522 : memref<1x1x100x64xf32, #tpu.memory_space<vmem>> -> memref<100x64xf32, #tpu.memory_space<vmem>>
        %dma_start3A_524 = arith.constant 0 : i32
        %dma_start3A_525 = tpu.memref_slice %arg6[%add3A_481, %dma_start3A_524] : memref<64x100xi32, #tpu.memory_space<vmem>> -> memref<1x100xi32, #tpu.memory_space<vmem>>
        %dma_start3A_526 = tpu.memref_squeeze %dma_start3A_525 : memref<1x100xi32, #tpu.memory_space<vmem>> -> memref<100xi32, #tpu.memory_space<vmem>>
        %dma_start3A_527 = arith.constant 0 : i32
        %dma_start3A_528 = arith.constant 0 : i32
        %dma_start3A_529 = tpu.memref_slice %arg3[%dma_start3A_527, %dma_start3A_528] : memref<1000000x64xf32, #tpu.memory_space<hbm>> -> memref<1000000x64xf32, #tpu.memory_space<hbm>>
        tpu.enqueue_indirect_dma source(%dma_start3A_529 : memref<1000000x64xf32, #tpu.memory_space<hbm>>) target(%dma_start3A_523 : memref<100x64xf32, #tpu.memory_space<vmem>>) offsets(%dma_start3A_526 : memref<100xi32, #tpu.memory_space<vmem>>) semaphore(%arg9 : memref<!tpu.dma_semaphore, #tpu.memory_space<semaphore_mem>>)
        %dma_start3A_530 = arith.constant 0 : i32
        %dma_start3A_531 = arith.constant 1 : i32
        %dma_start3A_532 = arith.constant 0 : i32
        %dma_start3A_533 = arith.constant 0 : i32
        %dma_start3A_534 = tpu.memref_slice %arg7[%dma_start3A_530, %dma_start3A_531, %dma_start3A_532, %dma_start3A_533] : memref<2x4x200x64xf32, #tpu.memory_space<vmem>> -> memref<1x1x100x64xf32, #tpu.memory_space<vmem>>
        %dma_start3A_535 = tpu.memref_squeeze %dma_start3A_534 : memref<1x1x100x64xf32, #tpu.memory_space<vmem>> -> memref<100x64xf32, #tpu.memory_space<vmem>>
        %dma_start3A_536 = arith.constant 0 : i32
        %dma_start3A_537 = tpu.memref_slice %arg6[%add3A_485, %dma_start3A_536] : memref<64x100xi32, #tpu.memory_space<vmem>> -> memref<1x100xi32, #tpu.memory_space<vmem>>
        %dma_start3A_538 = tpu.memref_squeeze %dma_start3A_537 : memref<1x100xi32, #tpu.memory_space<vmem>> -> memref<100xi32, #tpu.memory_space<vmem>>
        %dma_start3A_539 = arith.constant 0 : i32
        %dma_start3A_540 = arith.constant 0 : i32
        %dma_start3A_541 = tpu.memref_slice %arg3[%dma_start3A_539, %dma_start3A_540] : memref<1000000x64xf32, #tpu.memory_space<hbm>> -> memref<1000000x64xf32, #tpu.memory_space<hbm>>
        tpu.enqueue_indirect_dma source(%dma_start3A_541 : memref<1000000x64xf32, #tpu.memory_space<hbm>>) target(%dma_start3A_535 : memref<100x64xf32, #tpu.memory_space<vmem>>) offsets(%dma_start3A_538 : memref<100xi32, #tpu.memory_space<vmem>>) semaphore(%arg9 : memref<!tpu.dma_semaphore, #tpu.memory_space<semaphore_mem>>)
        %dma_start3A_542 = arith.constant 0 : i32
        %dma_start3A_543 = arith.constant 1 : i32
        %dma_start3A_544 = arith.constant 100 : i32
        %dma_start3A_545 = arith.constant 0 : i32
        %dma_start3A_546 = tpu.memref_slice %arg7[%dma_start3A_542, %dma_start3A_543, %dma_start3A_544, %dma_start3A_545] : memref<2x4x200x64xf32, #tpu.memory_space<vmem>> -> memref<1x1x100x64xf32, #tpu.memory_space<vmem>>
        %dma_start3A_547 = tpu.memref_squeeze %dma_start3A_546 : memref<1x1x100x64xf32, #tpu.memory_space<vmem>> -> memref<100x64xf32, #tpu.memory_space<vmem>>
        %dma_start3A_548 = arith.constant 0 : i32
        %dma_start3A_549 = tpu.memref_slice %arg6[%add3A_489, %dma_start3A_548] : memref<64x100xi32, #tpu.memory_space<vmem>> -> memref<1x100xi32, #tpu.memory_space<vmem>>
        %dma_start3A_550 = tpu.memref_squeeze %dma_start3A_549 : memref<1x100xi32, #tpu.memory_space<vmem>> -> memref<100xi32, #tpu.memory_space<vmem>>
        %dma_start3A_551 = arith.constant 0 : i32
        %dma_start3A_552 = arith.constant 0 : i32
        %dma_start3A_553 = tpu.memref_slice %arg3[%dma_start3A_551, %dma_start3A_552] : memref<1000000x64xf32, #tpu.memory_space<hbm>> -> memref<1000000x64xf32, #tpu.memory_space<hbm>>
        tpu.enqueue_indirect_dma source(%dma_start3A_553 : memref<1000000x64xf32, #tpu.memory_space<hbm>>) target(%dma_start3A_547 : memref<100x64xf32, #tpu.memory_space<vmem>>) offsets(%dma_start3A_550 : memref<100xi32, #tpu.memory_space<vmem>>) semaphore(%arg9 : memref<!tpu.dma_semaphore, #tpu.memory_space<semaphore_mem>>)
        %dma_start3A_554 = arith.constant 0 : i32
        %dma_start3A_555 = arith.constant 2 : i32
        %dma_start3A_556 = arith.constant 0 : i32
        %dma_start3A_557 = arith.constant 0 : i32
        %dma_start3A_558 = tpu.memref_slice %arg7[%dma_start3A_554, %dma_start3A_555, %dma_start3A_556, %dma_start3A_557] : memref<2x4x200x64xf32, #tpu.memory_space<vmem>> -> memref<1x1x100x64xf32, #tpu.memory_space<vmem>>
        %dma_start3A_559 = tpu.memref_squeeze %dma_start3A_558 : memref<1x1x100x64xf32, #tpu.memory_space<vmem>> -> memref<100x64xf32, #tpu.memory_space<vmem>>
        %dma_start3A_560 = arith.constant 0 : i32
        %dma_start3A_561 = tpu.memref_slice %arg6[%add3A_493, %dma_start3A_560] : memref<64x100xi32, #tpu.memory_space<vmem>> -> memref<1x100xi32, #tpu.memory_space<vmem>>
        %dma_start3A_562 = tpu.memref_squeeze %dma_start3A_561 : memref<1x100xi32, #tpu.memory_space<vmem>> -> memref<100xi32, #tpu.memory_space<vmem>>
        %dma_start3A_563 = arith.constant 0 : i32
        %dma_start3A_564 = arith.constant 0 : i32
        %dma_start3A_565 = tpu.memref_slice %arg3[%dma_start3A_563, %dma_start3A_564] : memref<1000000x64xf32, #tpu.memory_space<hbm>> -> memref<1000000x64xf32, #tpu.memory_space<hbm>>
        tpu.enqueue_indirect_dma source(%dma_start3A_565 : memref<1000000x64xf32, #tpu.memory_space<hbm>>) target(%dma_start3A_559 : memref<100x64xf32, #tpu.memory_space<vmem>>) offsets(%dma_start3A_562 : memref<100xi32, #tpu.memory_space<vmem>>) semaphore(%arg9 : memref<!tpu.dma_semaphore, #tpu.memory_space<semaphore_mem>>)
        %dma_start3A_566 = arith.constant 0 : i32
        %dma_start3A_567 = arith.constant 2 : i32
        %dma_start3A_568 = arith.constant 100 : i32
        %dma_start3A_569 = arith.constant 0 : i32
        %dma_start3A_570 = tpu.memref_slice %arg7[%dma_start3A_566, %dma_start3A_567, %dma_start3A_568, %dma_start3A_569] : memref<2x4x200x64xf32, #tpu.memory_space<vmem>> -> memref<1x1x100x64xf32, #tpu.memory_space<vmem>>
        %dma_start3A_571 = tpu.memref_squeeze %dma_start3A_570 : memref<1x1x100x64xf32, #tpu.memory_space<vmem>> -> memref<100x64xf32, #tpu.memory_space<vmem>>
        %dma_start3A_572 = arith.constant 0 : i32
        %dma_start3A_573 = tpu.memref_slice %arg6[%add3A_497, %dma_start3A_572] : memref<64x100xi32, #tpu.memory_space<vmem>> -> memref<1x100xi32, #tpu.memory_space<vmem>>
        %dma_start3A_574 = tpu.memref_squeeze %dma_start3A_573 : memref<1x100xi32, #tpu.memory_space<vmem>> -> memref<100xi32, #tpu.memory_space<vmem>>
        %dma_start3A_575 = arith.constant 0 : i32
        %dma_start3A_576 = arith.constant 0 : i32
        %dma_start3A_577 = tpu.memref_slice %arg3[%dma_start3A_575, %dma_start3A_576] : memref<1000000x64xf32, #tpu.memory_space<hbm>> -> memref<1000000x64xf32, #tpu.memory_space<hbm>>
        tpu.enqueue_indirect_dma source(%dma_start3A_577 : memref<1000000x64xf32, #tpu.memory_space<hbm>>) target(%dma_start3A_571 : memref<100x64xf32, #tpu.memory_space<vmem>>) offsets(%dma_start3A_574 : memref<100xi32, #tpu.memory_space<vmem>>) semaphore(%arg9 : memref<!tpu.dma_semaphore, #tpu.memory_space<semaphore_mem>>)
        %dma_start3A_578 = arith.constant 0 : i32
        %dma_start3A_579 = arith.constant 3 : i32
        %dma_start3A_580 = arith.constant 0 : i32
        %dma_start3A_581 = arith.constant 0 : i32
        %dma_start3A_582 = tpu.memref_slice %arg7[%dma_start3A_578, %dma_start3A_579, %dma_start3A_580, %dma_start3A_581] : memref<2x4x200x64xf32, #tpu.memory_space<vmem>> -> memref<1x1x100x64xf32, #tpu.memory_space<vmem>>
        %dma_start3A_583 = tpu.memref_squeeze %dma_start3A_582 : memref<1x1x100x64xf32, #tpu.memory_space<vmem>> -> memref<100x64xf32, #tpu.memory_space<vmem>>
        %dma_start3A_584 = arith.constant 0 : i32
        %dma_start3A_585 = tpu.memref_slice %arg6[%add3A_501, %dma_start3A_584] : memref<64x100xi32, #tpu.memory_space<vmem>> -> memref<1x100xi32, #tpu.memory_space<vmem>>
        %dma_start3A_586 = tpu.memref_squeeze %dma_start3A_585 : memref<1x100xi32, #tpu.memory_space<vmem>> -> memref<100xi32, #tpu.memory_space<vmem>>
        %dma_start3A_587 = arith.constant 0 : i32
        %dma_start3A_588 = arith.constant 0 : i32
        %dma_start3A_589 = tpu.memref_slice %arg3[%dma_start3A_587, %dma_start3A_588] : memref<1000000x64xf32, #tpu.memory_space<hbm>> -> memref<1000000x64xf32, #tpu.memory_space<hbm>>
        tpu.enqueue_indirect_dma source(%dma_start3A_589 : memref<1000000x64xf32, #tpu.memory_space<hbm>>) target(%dma_start3A_583 : memref<100x64xf32, #tpu.memory_space<vmem>>) offsets(%dma_start3A_586 : memref<100xi32, #tpu.memory_space<vmem>>) semaphore(%arg9 : memref<!tpu.dma_semaphore, #tpu.memory_space<semaphore_mem>>)
        %dma_start3A_590 = arith.constant 0 : i32
        %dma_start3A_591 = arith.constant 3 : i32
        %dma_start3A_592 = arith.constant 100 : i32
        %dma_start3A_593 = arith.constant 0 : i32
        %dma_start3A_594 = tpu.memref_slice %arg7[%dma_start3A_590, %dma_start3A_591, %dma_start3A_592, %dma_start3A_593] : memref<2x4x200x64xf32, #tpu.memory_space<vmem>> -> memref<1x1x100x64xf32, #tpu.memory_space<vmem>>
        %dma_start3A_595 = tpu.memref_squeeze %dma_start3A_594 : memref<1x1x100x64xf32, #tpu.memory_space<vmem>> -> memref<100x64xf32, #tpu.memory_space<vmem>>
        %dma_start3A_596 = arith.constant 0 : i32
        %dma_start3A_597 = tpu.memref_slice %arg6[%add3A_505, %dma_start3A_596] : memref<64x100xi32, #tpu.memory_space<vmem>> -> memref<1x100xi32, #tpu.memory_space<vmem>>
        %dma_start3A_598 = tpu.memref_squeeze %dma_start3A_597 : memref<1x100xi32, #tpu.memory_space<vmem>> -> memref<100xi32, #tpu.memory_space<vmem>>
        %dma_start3A_599 = arith.constant 0 : i32
        %dma_start3A_600 = arith.constant 0 : i32
        %dma_start3A_601 = tpu.memref_slice %arg3[%dma_start3A_599, %dma_start3A_600] : memref<1000000x64xf32, #tpu.memory_space<hbm>> -> memref<1000000x64xf32, #tpu.memory_space<hbm>>
        tpu.enqueue_indirect_dma source(%dma_start3A_601 : memref<1000000x64xf32, #tpu.memory_space<hbm>>) target(%dma_start3A_595 : memref<100x64xf32, #tpu.memory_space<vmem>>) offsets(%dma_start3A_598 : memref<100xi32, #tpu.memory_space<vmem>>) semaphore(%arg9 : memref<!tpu.dma_semaphore, #tpu.memory_space<semaphore_mem>>)
      } else {
      }
      %mul3A_316 = arith.constant 8 : i32
      %mul3A_317 = arith.muli %add3A_303, %mul3A_316 : i32
      %add3A_318 = arith.constant 0 : i32
      %add3A_319 = arith.addi %mul3A_317, %add3A_318 : i32
      %mul3A_320 = arith.constant 8 : i32
      %mul3A_321 = arith.muli %add3A_303, %mul3A_320 : i32
      %add3A_322 = arith.constant 1 : i32
      %add3A_323 = arith.addi %mul3A_321, %add3A_322 : i32
      %mul3A_324 = arith.constant 8 : i32
      %mul3A_325 = arith.muli %add3A_303, %mul3A_324 : i32
      %add3A_326 = arith.constant 2 : i32
      %add3A_327 = arith.addi %mul3A_325, %add3A_326 : i32
      %mul3A_328 = arith.constant 8 : i32
      %mul3A_329 = arith.muli %add3A_303, %mul3A_328 : i32
      %add3A_330 = arith.constant 3 : i32
      %add3A_331 = arith.addi %mul3A_329, %add3A_330 : i32
      %mul3A_332 = arith.constant 8 : i32
      %mul3A_333 = arith.muli %add3A_303, %mul3A_332 : i32
      %add3A_334 = arith.constant 4 : i32
      %add3A_335 = arith.addi %mul3A_333, %add3A_334 : i32
      %mul3A_336 = arith.constant 8 : i32
      %mul3A_337 = arith.muli %add3A_303, %mul3A_336 : i32
      %add3A_338 = arith.constant 5 : i32
      %add3A_339 = arith.addi %mul3A_337, %add3A_338 : i32
      %mul3A_340 = arith.constant 8 : i32
      %mul3A_341 = arith.muli %add3A_303, %mul3A_340 : i32
      %add3A_342 = arith.constant 6 : i32
      %add3A_343 = arith.addi %mul3A_341, %add3A_342 : i32
      %mul3A_344 = arith.constant 8 : i32
      %mul3A_345 = arith.muli %add3A_303, %mul3A_344 : i32
      %add3A_346 = arith.constant 7 : i32
      %add3A_347 = arith.addi %mul3A_345, %add3A_346 : i32
      %dma_wait3A_348 = arith.constant 1 : i32
      %dma_wait3A_349 = arith.constant 0 : i32
      %dma_wait3A_350 = arith.constant 0 : i32
      %dma_wait3A_351 = arith.constant 0 : i32
      %dma_wait3A_352 = tpu.memref_slice %arg7[%dma_wait3A_348, %dma_wait3A_349, %dma_wait3A_350, %dma_wait3A_351] : memref<2x4x200x64xf32, #tpu.memory_space<vmem>> -> memref<1x1x100x64xf32, #tpu.memory_space<vmem>>
      %dma_wait3A_353 = tpu.memref_squeeze %dma_wait3A_352 : memref<1x1x100x64xf32, #tpu.memory_space<vmem>> -> memref<100x64xf32, #tpu.memory_space<vmem>>
      %dma_wait3A_354 = arith.constant 0 : i32
      %dma_wait3A_355 = tpu.memref_slice %arg6[%add3A_319, %dma_wait3A_354] : memref<64x100xi32, #tpu.memory_space<vmem>> -> memref<1x100xi32, #tpu.memory_space<vmem>>
      %dma_wait3A_356 = tpu.memref_squeeze %dma_wait3A_355 : memref<1x100xi32, #tpu.memory_space<vmem>> -> memref<100xi32, #tpu.memory_space<vmem>>
      %dma_wait3A_357 = arith.constant 0 : i32
      %dma_wait3A_358 = arith.constant 0 : i32
      %dma_wait3A_359 = tpu.memref_slice %arg3[%dma_wait3A_357, %dma_wait3A_358] : memref<1000000x64xf32, #tpu.memory_space<hbm>> -> memref<1000000x64xf32, #tpu.memory_space<hbm>>
      tpu.wait_indirect_dma semaphore(%arg10 : memref<!tpu.dma_semaphore, #tpu.memory_space<semaphore_mem>>) src(%dma_wait3A_359 : memref<1000000x64xf32, #tpu.memory_space<hbm>>) dst(%dma_wait3A_353 : memref<100x64xf32, #tpu.memory_space<vmem>>)
      %dma_wait3A_360 = arith.constant 1 : i32
      %dma_wait3A_361 = arith.constant 0 : i32
      %dma_wait3A_362 = arith.constant 100 : i32
      %dma_wait3A_363 = arith.constant 0 : i32
      %dma_wait3A_364 = tpu.memref_slice %arg7[%dma_wait3A_360, %dma_wait3A_361, %dma_wait3A_362, %dma_wait3A_363] : memref<2x4x200x64xf32, #tpu.memory_space<vmem>> -> memref<1x1x100x64xf32, #tpu.memory_space<vmem>>
      %dma_wait3A_365 = tpu.memref_squeeze %dma_wait3A_364 : memref<1x1x100x64xf32, #tpu.memory_space<vmem>> -> memref<100x64xf32, #tpu.memory_space<vmem>>
      %dma_wait3A_366 = arith.constant 0 : i32
      %dma_wait3A_367 = tpu.memref_slice %arg6[%add3A_323, %dma_wait3A_366] : memref<64x100xi32, #tpu.memory_space<vmem>> -> memref<1x100xi32, #tpu.memory_space<vmem>>
      %dma_wait3A_368 = tpu.memref_squeeze %dma_wait3A_367 : memref<1x100xi32, #tpu.memory_space<vmem>> -> memref<100xi32, #tpu.memory_space<vmem>>
      %dma_wait3A_369 = arith.constant 0 : i32
      %dma_wait3A_370 = arith.constant 0 : i32
      %dma_wait3A_371 = tpu.memref_slice %arg3[%dma_wait3A_369, %dma_wait3A_370] : memref<1000000x64xf32, #tpu.memory_space<hbm>> -> memref<1000000x64xf32, #tpu.memory_space<hbm>>
      tpu.wait_indirect_dma semaphore(%arg10 : memref<!tpu.dma_semaphore, #tpu.memory_space<semaphore_mem>>) src(%dma_wait3A_371 : memref<1000000x64xf32, #tpu.memory_space<hbm>>) dst(%dma_wait3A_365 : memref<100x64xf32, #tpu.memory_space<vmem>>)
      %dma_wait3A_372 = arith.constant 1 : i32
      %dma_wait3A_373 = arith.constant 1 : i32
      %dma_wait3A_374 = arith.constant 0 : i32
      %dma_wait3A_375 = arith.constant 0 : i32
      %dma_wait3A_376 = tpu.memref_slice %arg7[%dma_wait3A_372, %dma_wait3A_373, %dma_wait3A_374, %dma_wait3A_375] : memref<2x4x200x64xf32, #tpu.memory_space<vmem>> -> memref<1x1x100x64xf32, #tpu.memory_space<vmem>>
      %dma_wait3A_377 = tpu.memref_squeeze %dma_wait3A_376 : memref<1x1x100x64xf32, #tpu.memory_space<vmem>> -> memref<100x64xf32, #tpu.memory_space<vmem>>
      %dma_wait3A_378 = arith.constant 0 : i32
      %dma_wait3A_379 = tpu.memref_slice %arg6[%add3A_327, %dma_wait3A_378] : memref<64x100xi32, #tpu.memory_space<vmem>> -> memref<1x100xi32, #tpu.memory_space<vmem>>
      %dma_wait3A_380 = tpu.memref_squeeze %dma_wait3A_379 : memref<1x100xi32, #tpu.memory_space<vmem>> -> memref<100xi32, #tpu.memory_space<vmem>>
      %dma_wait3A_381 = arith.constant 0 : i32
      %dma_wait3A_382 = arith.constant 0 : i32
      %dma_wait3A_383 = tpu.memref_slice %arg3[%dma_wait3A_381, %dma_wait3A_382] : memref<1000000x64xf32, #tpu.memory_space<hbm>> -> memref<1000000x64xf32, #tpu.memory_space<hbm>>
      tpu.wait_indirect_dma semaphore(%arg10 : memref<!tpu.dma_semaphore, #tpu.memory_space<semaphore_mem>>) src(%dma_wait3A_383 : memref<1000000x64xf32, #tpu.memory_space<hbm>>) dst(%dma_wait3A_377 : memref<100x64xf32, #tpu.memory_space<vmem>>)
      %dma_wait3A_384 = arith.constant 1 : i32
      %dma_wait3A_385 = arith.constant 1 : i32
      %dma_wait3A_386 = arith.constant 100 : i32
      %dma_wait3A_387 = arith.constant 0 : i32
      %dma_wait3A_388 = tpu.memref_slice %arg7[%dma_wait3A_384, %dma_wait3A_385, %dma_wait3A_386, %dma_wait3A_387] : memref<2x4x200x64xf32, #tpu.memory_space<vmem>> -> memref<1x1x100x64xf32, #tpu.memory_space<vmem>>
      %dma_wait3A_389 = tpu.memref_squeeze %dma_wait3A_388 : memref<1x1x100x64xf32, #tpu.memory_space<vmem>> -> memref<100x64xf32, #tpu.memory_space<vmem>>
      %dma_wait3A_390 = arith.constant 0 : i32
      %dma_wait3A_391 = tpu.memref_slice %arg6[%add3A_331, %dma_wait3A_390] : memref<64x100xi32, #tpu.memory_space<vmem>> -> memref<1x100xi32, #tpu.memory_space<vmem>>
      %dma_wait3A_392 = tpu.memref_squeeze %dma_wait3A_391 : memref<1x100xi32, #tpu.memory_space<vmem>> -> memref<100xi32, #tpu.memory_space<vmem>>
      %dma_wait3A_393 = arith.constant 0 : i32
      %dma_wait3A_394 = arith.constant 0 : i32
      %dma_wait3A_395 = tpu.memref_slice %arg3[%dma_wait3A_393, %dma_wait3A_394] : memref<1000000x64xf32, #tpu.memory_space<hbm>> -> memref<1000000x64xf32, #tpu.memory_space<hbm>>
      tpu.wait_indirect_dma semaphore(%arg10 : memref<!tpu.dma_semaphore, #tpu.memory_space<semaphore_mem>>) src(%dma_wait3A_395 : memref<1000000x64xf32, #tpu.memory_space<hbm>>) dst(%dma_wait3A_389 : memref<100x64xf32, #tpu.memory_space<vmem>>)
      %dma_wait3A_396 = arith.constant 1 : i32
      %dma_wait3A_397 = arith.constant 2 : i32
      %dma_wait3A_398 = arith.constant 0 : i32
      %dma_wait3A_399 = arith.constant 0 : i32
      %dma_wait3A_400 = tpu.memref_slice %arg7[%dma_wait3A_396, %dma_wait3A_397, %dma_wait3A_398, %dma_wait3A_399] : memref<2x4x200x64xf32, #tpu.memory_space<vmem>> -> memref<1x1x100x64xf32, #tpu.memory_space<vmem>>
      %dma_wait3A_401 = tpu.memref_squeeze %dma_wait3A_400 : memref<1x1x100x64xf32, #tpu.memory_space<vmem>> -> memref<100x64xf32, #tpu.memory_space<vmem>>
      %dma_wait3A_402 = arith.constant 0 : i32
      %dma_wait3A_403 = tpu.memref_slice %arg6[%add3A_335, %dma_wait3A_402] : memref<64x100xi32, #tpu.memory_space<vmem>> -> memref<1x100xi32, #tpu.memory_space<vmem>>
      %dma_wait3A_404 = tpu.memref_squeeze %dma_wait3A_403 : memref<1x100xi32, #tpu.memory_space<vmem>> -> memref<100xi32, #tpu.memory_space<vmem>>
      %dma_wait3A_405 = arith.constant 0 : i32
      %dma_wait3A_406 = arith.constant 0 : i32
      %dma_wait3A_407 = tpu.memref_slice %arg3[%dma_wait3A_405, %dma_wait3A_406] : memref<1000000x64xf32, #tpu.memory_space<hbm>> -> memref<1000000x64xf32, #tpu.memory_space<hbm>>
      tpu.wait_indirect_dma semaphore(%arg10 : memref<!tpu.dma_semaphore, #tpu.memory_space<semaphore_mem>>) src(%dma_wait3A_407 : memref<1000000x64xf32, #tpu.memory_space<hbm>>) dst(%dma_wait3A_401 : memref<100x64xf32, #tpu.memory_space<vmem>>)
      %dma_wait3A_408 = arith.constant 1 : i32
      %dma_wait3A_409 = arith.constant 2 : i32
      %dma_wait3A_410 = arith.constant 100 : i32
      %dma_wait3A_411 = arith.constant 0 : i32
      %dma_wait3A_412 = tpu.memref_slice %arg7[%dma_wait3A_408, %dma_wait3A_409, %dma_wait3A_410, %dma_wait3A_411] : memref<2x4x200x64xf32, #tpu.memory_space<vmem>> -> memref<1x1x100x64xf32, #tpu.memory_space<vmem>>
      %dma_wait3A_413 = tpu.memref_squeeze %dma_wait3A_412 : memref<1x1x100x64xf32, #tpu.memory_space<vmem>> -> memref<100x64xf32, #tpu.memory_space<vmem>>
      %dma_wait3A_414 = arith.constant 0 : i32
      %dma_wait3A_415 = tpu.memref_slice %arg6[%add3A_339, %dma_wait3A_414] : memref<64x100xi32, #tpu.memory_space<vmem>> -> memref<1x100xi32, #tpu.memory_space<vmem>>
      %dma_wait3A_416 = tpu.memref_squeeze %dma_wait3A_415 : memref<1x100xi32, #tpu.memory_space<vmem>> -> memref<100xi32, #tpu.memory_space<vmem>>
      %dma_wait3A_417 = arith.constant 0 : i32
      %dma_wait3A_418 = arith.constant 0 : i32
      %dma_wait3A_419 = tpu.memref_slice %arg3[%dma_wait3A_417, %dma_wait3A_418] : memref<1000000x64xf32, #tpu.memory_space<hbm>> -> memref<1000000x64xf32, #tpu.memory_space<hbm>>
      tpu.wait_indirect_dma semaphore(%arg10 : memref<!tpu.dma_semaphore, #tpu.memory_space<semaphore_mem>>) src(%dma_wait3A_419 : memref<1000000x64xf32, #tpu.memory_space<hbm>>) dst(%dma_wait3A_413 : memref<100x64xf32, #tpu.memory_space<vmem>>)
      %dma_wait3A_420 = arith.constant 1 : i32
      %dma_wait3A_421 = arith.constant 3 : i32
      %dma_wait3A_422 = arith.constant 0 : i32
      %dma_wait3A_423 = arith.constant 0 : i32
      %dma_wait3A_424 = tpu.memref_slice %arg7[%dma_wait3A_420, %dma_wait3A_421, %dma_wait3A_422, %dma_wait3A_423] : memref<2x4x200x64xf32, #tpu.memory_space<vmem>> -> memref<1x1x100x64xf32, #tpu.memory_space<vmem>>
      %dma_wait3A_425 = tpu.memref_squeeze %dma_wait3A_424 : memref<1x1x100x64xf32, #tpu.memory_space<vmem>> -> memref<100x64xf32, #tpu.memory_space<vmem>>
      %dma_wait3A_426 = arith.constant 0 : i32
      %dma_wait3A_427 = tpu.memref_slice %arg6[%add3A_343, %dma_wait3A_426] : memref<64x100xi32, #tpu.memory_space<vmem>> -> memref<1x100xi32, #tpu.memory_space<vmem>>
      %dma_wait3A_428 = tpu.memref_squeeze %dma_wait3A_427 : memref<1x100xi32, #tpu.memory_space<vmem>> -> memref<100xi32, #tpu.memory_space<vmem>>
      %dma_wait3A_429 = arith.constant 0 : i32
      %dma_wait3A_430 = arith.constant 0 : i32
      %dma_wait3A_431 = tpu.memref_slice %arg3[%dma_wait3A_429, %dma_wait3A_430] : memref<1000000x64xf32, #tpu.memory_space<hbm>> -> memref<1000000x64xf32, #tpu.memory_space<hbm>>
      tpu.wait_indirect_dma semaphore(%arg10 : memref<!tpu.dma_semaphore, #tpu.memory_space<semaphore_mem>>) src(%dma_wait3A_431 : memref<1000000x64xf32, #tpu.memory_space<hbm>>) dst(%dma_wait3A_425 : memref<100x64xf32, #tpu.memory_space<vmem>>)
      %dma_wait3A_432 = arith.constant 1 : i32
      %dma_wait3A_433 = arith.constant 3 : i32
      %dma_wait3A_434 = arith.constant 100 : i32
      %dma_wait3A_435 = arith.constant 0 : i32
      %dma_wait3A_436 = tpu.memref_slice %arg7[%dma_wait3A_432, %dma_wait3A_433, %dma_wait3A_434, %dma_wait3A_435] : memref<2x4x200x64xf32, #tpu.memory_space<vmem>> -> memref<1x1x100x64xf32, #tpu.memory_space<vmem>>
      %dma_wait3A_437 = tpu.memref_squeeze %dma_wait3A_436 : memref<1x1x100x64xf32, #tpu.memory_space<vmem>> -> memref<100x64xf32, #tpu.memory_space<vmem>>
      %dma_wait3A_438 = arith.constant 0 : i32
      %dma_wait3A_439 = tpu.memref_slice %arg6[%add3A_347, %dma_wait3A_438] : memref<64x100xi32, #tpu.memory_space<vmem>> -> memref<1x100xi32, #tpu.memory_space<vmem>>
      %dma_wait3A_440 = tpu.memref_squeeze %dma_wait3A_439 : memref<1x100xi32, #tpu.memory_space<vmem>> -> memref<100xi32, #tpu.memory_space<vmem>>
      %dma_wait3A_441 = arith.constant 0 : i32
      %dma_wait3A_442 = arith.constant 0 : i32
      %dma_wait3A_443 = tpu.memref_slice %arg3[%dma_wait3A_441, %dma_wait3A_442] : memref<1000000x64xf32, #tpu.memory_space<hbm>> -> memref<1000000x64xf32, #tpu.memory_space<hbm>>
      tpu.wait_indirect_dma semaphore(%arg10 : memref<!tpu.dma_semaphore, #tpu.memory_space<semaphore_mem>>) src(%dma_wait3A_443 : memref<1000000x64xf32, #tpu.memory_space<hbm>>) dst(%dma_wait3A_437 : memref<100x64xf32, #tpu.memory_space<vmem>>)
      %scan3A_444 = arith.constant 0 : i32
      %scan3A_445 = arith.constant 0 : i32
      %scan3A_446 = arith.constant 200 : i32
      %scan3A_447 = arith.addi %scan3A_445, %scan3A_446 : i32
      %scan3A_448 = arith.constant 1 : i32
      scf.for %scan3A_472 = %scan3A_445 to %scan3A_447 step %scan3A_448  : i32 {
        %get3A = arith.index_cast %scan3A_472 : i32 to index
        %get3A_473 = arith.constant 0 : index
        %get3A_474 = tpu.vector_load %arg8[%get3A, %get3A_473] {strides = array<i32>} : memref<200x64xf32, #tpu.memory_space<vmem>>, vector<1x16xf32>,
        %get3A_475 = vector.shape_cast %get3A_474 : vector<1x16xf32> to vector<16xf32>
        %get3A_476 = arith.constant 1 : i32
        %get3A_477 = arith.constant 0 : i32
        %get3A_478 = arith.index_cast %get3A_476 : i32 to index
        %get3A_479 = arith.index_cast %get3A_477 : i32 to index
        %get3A_480 = arith.index_cast %scan3A_472 : i32 to index
        %get3A_481 = arith.constant 0 : index
        %get3A_482 = tpu.vector_load %arg7[%get3A_478, %get3A_479, %get3A_480, %get3A_481] {strides = array<i32>} : memref<2x4x200x64xf32, #tpu.memory_space<vmem>>, vector<1x1x1x16xf32>,
        %get3A_483 = vector.shape_cast %get3A_482 : vector<1x1x1x16xf32> to vector<16xf32>
        %mul3A_484 = arith.constant 8.000000e+00 : f32
        %mul3A_485 = vector.broadcast %mul3A_484 : f32 to vector<16xf32>
        %mul3A_486 = arith.mulf %get3A_483, %mul3A_485 : vector<16xf32>
        %add3A_487 = arith.addf %mul3A_486, %get3A_475 : vector<16xf32>
        %swap3A = arith.constant 1 : i32
        %swap3A_488 = arith.constant 0 : i32
        %swap3A_489 = arith.index_cast %swap3A : i32 to index
        %swap3A_490 = arith.index_cast %swap3A_488 : i32 to index
        %swap3A_491 = arith.index_cast %scan3A_472 : i32 to index
        %swap3A_492 = arith.constant 0 : index
        %swap3A_493 = tpu.vector_load %arg7[%swap3A_489, %swap3A_490, %swap3A_491, %swap3A_492] {strides = array<i32>} : memref<2x4x200x64xf32, #tpu.memory_space<vmem>>, vector<1x1x1x16xf32>,
        %swap3A_494 = vector.shape_cast %swap3A_493 : vector<1x1x1x16xf32> to vector<16xf32>
        %swap3A_495 = vector.shape_cast %add3A_487 : vector<16xf32> to vector<1x1x1x16xf32>
        tpu.vector_store %arg7[%swap3A_489, %swap3A_490, %swap3A_491, %swap3A_492], %swap3A_495 {strides = array<i32>} : memref<2x4x200x64xf32, #tpu.memory_space<vmem>>, vector<1x1x1x16xf32>,
        %get3A_496 = arith.constant 1 : i32
        %get3A_497 = arith.constant 1 : i32
        %get3A_498 = arith.index_cast %get3A_496 : i32 to index
        %get3A_499 = arith.index_cast %get3A_497 : i32 to index
        %get3A_500 = arith.index_cast %scan3A_472 : i32 to index
        %get3A_501 = arith.constant 0 : index
        %get3A_502 = tpu.vector_load %arg7[%get3A_498, %get3A_499, %get3A_500, %get3A_501] {strides = array<i32>} : memref<2x4x200x64xf32, #tpu.memory_space<vmem>>, vector<1x1x1x16xf32>,
        %get3A_503 = vector.shape_cast %get3A_502 : vector<1x1x1x16xf32> to vector<16xf32>
        %mul3A_504 = arith.constant 8.000000e+00 : f32
        %mul3A_505 = vector.broadcast %mul3A_504 : f32 to vector<16xf32>
        %mul3A_506 = arith.mulf %get3A_503, %mul3A_505 : vector<16xf32>
        %add3A_507 = arith.addf %mul3A_506, %get3A_475 : vector<16xf32>
        %swap3A_508 = arith.constant 1 : i32
        %swap3A_509 = arith.constant 1 : i32
        %swap3A_510 = arith.index_cast %swap3A_508 : i32 to index
        %swap3A_511 = arith.index_cast %swap3A_509 : i32 to index
        %swap3A_512 = arith.index_cast %scan3A_472 : i32 to index
        %swap3A_513 = arith.constant 0 : index
        %swap3A_514 = tpu.vector_load %arg7[%swap3A_510, %swap3A_511, %swap3A_512, %swap3A_513] {strides = array<i32>} : memref<2x4x200x64xf32, #tpu.memory_space<vmem>>, vector<1x1x1x16xf32>,
        %swap3A_515 = vector.shape_cast %swap3A_514 : vector<1x1x1x16xf32> to vector<16xf32>
        %swap3A_516 = vector.shape_cast %add3A_507 : vector<16xf32> to vector<1x1x1x16xf32>
        tpu.vector_store %arg7[%swap3A_510, %swap3A_511, %swap3A_512, %swap3A_513], %swap3A_516 {strides = array<i32>} : memref<2x4x200x64xf32, #tpu.memory_space<vmem>>, vector<1x1x1x16xf32>,
        %get3A_517 = arith.constant 1 : i32
        %get3A_518 = arith.constant 2 : i32
        %get3A_519 = arith.index_cast %get3A_517 : i32 to index
        %get3A_520 = arith.index_cast %get3A_518 : i32 to index
        %get3A_521 = arith.index_cast %scan3A_472 : i32 to index
        %get3A_522 = arith.constant 0 : index
        %get3A_523 = tpu.vector_load %arg7[%get3A_519, %get3A_520, %get3A_521, %get3A_522] {strides = array<i32>} : memref<2x4x200x64xf32, #tpu.memory_space<vmem>>, vector<1x1x1x16xf32>,
        %get3A_524 = vector.shape_cast %get3A_523 : vector<1x1x1x16xf32> to vector<16xf32>
        %mul3A_525 = arith.constant 8.000000e+00 : f32
        %mul3A_526 = vector.broadcast %mul3A_525 : f32 to vector<16xf32>
        %mul3A_527 = arith.mulf %get3A_524, %mul3A_526 : vector<16xf32>
        %add3A_528 = arith.addf %mul3A_527, %get3A_475 : vector<16xf32>
        %swap3A_529 = arith.constant 1 : i32
        %swap3A_530 = arith.constant 2 : i32
        %swap3A_531 = arith.index_cast %swap3A_529 : i32 to index
        %swap3A_532 = arith.index_cast %swap3A_530 : i32 to index
        %swap3A_533 = arith.index_cast %scan3A_472 : i32 to index
        %swap3A_534 = arith.constant 0 : index
        %swap3A_535 = tpu.vector_load %arg7[%swap3A_531, %swap3A_532, %swap3A_533, %swap3A_534] {strides = array<i32>} : memref<2x4x200x64xf32, #tpu.memory_space<vmem>>, vector<1x1x1x16xf32>,
        %swap3A_536 = vector.shape_cast %swap3A_535 : vector<1x1x1x16xf32> to vector<16xf32>
        %swap3A_537 = vector.shape_cast %add3A_528 : vector<16xf32> to vector<1x1x1x16xf32>
        tpu.vector_store %arg7[%swap3A_531, %swap3A_532, %swap3A_533, %swap3A_534], %swap3A_537 {strides = array<i32>} : memref<2x4x200x64xf32, #tpu.memory_space<vmem>>, vector<1x1x1x16xf32>,
        %get3A_538 = arith.constant 1 : i32
        %get3A_539 = arith.constant 3 : i32
        %get3A_540 = arith.index_cast %get3A_538 : i32 to index
        %get3A_541 = arith.index_cast %get3A_539 : i32 to index
        %get3A_542 = arith.index_cast %scan3A_472 : i32 to index
        %get3A_543 = arith.constant 0 : index
        %get3A_544 = tpu.vector_load %arg7[%get3A_540, %get3A_541, %get3A_542, %get3A_543] {strides = array<i32>} : memref<2x4x200x64xf32, #tpu.memory_space<vmem>>, vector<1x1x1x16xf32>,
        %get3A_545 = vector.shape_cast %get3A_544 : vector<1x1x1x16xf32> to vector<16xf32>
        %mul3A_546 = arith.constant 8.000000e+00 : f32
        %mul3A_547 = vector.broadcast %mul3A_546 : f32 to vector<16xf32>
        %mul3A_548 = arith.mulf %get3A_545, %mul3A_547 : vector<16xf32>
        %add3A_549 = arith.addf %mul3A_548, %get3A_475 : vector<16xf32>
        %swap3A_550 = arith.constant 1 : i32
        %swap3A_551 = arith.constant 3 : i32
        %swap3A_552 = arith.index_cast %swap3A_550 : i32 to index
        %swap3A_553 = arith.index_cast %swap3A_551 : i32 to index
        %swap3A_554 = arith.index_cast %scan3A_472 : i32 to index
        %swap3A_555 = arith.constant 0 : index
        %swap3A_556 = tpu.vector_load %arg7[%swap3A_552, %swap3A_553, %swap3A_554, %swap3A_555] {strides = array<i32>} : memref<2x4x200x64xf32, #tpu.memory_space<vmem>>, vector<1x1x1x16xf32>,
        %swap3A_557 = vector.shape_cast %swap3A_556 : vector<1x1x1x16xf32> to vector<16xf32>
        %swap3A_558 = vector.shape_cast %add3A_549 : vector<16xf32> to vector<1x1x1x16xf32>
        tpu.vector_store %arg7[%swap3A_552, %swap3A_553, %swap3A_554, %swap3A_555], %swap3A_558 {strides = array<i32>} : memref<2x4x200x64xf32, #tpu.memory_space<vmem>>, vector<1x1x1x16xf32>,
        %get3A_559 = arith.index_cast %scan3A_472 : i32 to index
        %get3A_560 = arith.constant 16 : index
        %get3A_561 = tpu.vector_load %arg8[%get3A_559, %get3A_560] {strides = array<i32>} : memref<200x64xf32, #tpu.memory_space<vmem>>, vector<1x16xf32>,
        %get3A_562 = vector.shape_cast %get3A_561 : vector<1x16xf32> to vector<16xf32>
        %get3A_563 = arith.constant 1 : i32
        %get3A_564 = arith.constant 0 : i32
        %get3A_565 = arith.index_cast %get3A_563 : i32 to index
        %get3A_566 = arith.index_cast %get3A_564 : i32 to index
        %get3A_567 = arith.index_cast %scan3A_472 : i32 to index
        %get3A_568 = arith.constant 16 : index
        %get3A_569 = tpu.vector_load %arg7[%get3A_565, %get3A_566, %get3A_567, %get3A_568] {strides = array<i32>} : memref<2x4x200x64xf32, #tpu.memory_space<vmem>>, vector<1x1x1x16xf32>,
        %get3A_570 = vector.shape_cast %get3A_569 : vector<1x1x1x16xf32> to vector<16xf32>
        %mul3A_571 = arith.constant 8.000000e+00 : f32
        %mul3A_572 = vector.broadcast %mul3A_571 : f32 to vector<16xf32>
        %mul3A_573 = arith.mulf %get3A_570, %mul3A_572 : vector<16xf32>
        %add3A_574 = arith.addf %mul3A_573, %get3A_562 : vector<16xf32>
        %swap3A_575 = arith.constant 1 : i32
        %swap3A_576 = arith.constant 0 : i32
        %swap3A_577 = arith.index_cast %swap3A_575 : i32 to index
        %swap3A_578 = arith.index_cast %swap3A_576 : i32 to index
        %swap3A_579 = arith.index_cast %scan3A_472 : i32 to index
        %swap3A_580 = arith.constant 16 : index
        %swap3A_581 = tpu.vector_load %arg7[%swap3A_577, %swap3A_578, %swap3A_579, %swap3A_580] {strides = array<i32>} : memref<2x4x200x64xf32, #tpu.memory_space<vmem>>, vector<1x1x1x16xf32>,
        %swap3A_582 = vector.shape_cast %swap3A_581 : vector<1x1x1x16xf32> to vector<16xf32>
        %swap3A_583 = vector.shape_cast %add3A_574 : vector<16xf32> to vector<1x1x1x16xf32>
        tpu.vector_store %arg7[%swap3A_577, %swap3A_578, %swap3A_579, %swap3A_580], %swap3A_583 {strides = array<i32>} : memref<2x4x200x64xf32, #tpu.memory_space<vmem>>, vector<1x1x1x16xf32>,
        %get3A_584 = arith.constant 1 : i32
        %get3A_585 = arith.constant 1 : i32
        %get3A_586 = arith.index_cast %get3A_584 : i32 to index
        %get3A_587 = arith.index_cast %get3A_585 : i32 to index
        %get3A_588 = arith.index_cast %scan3A_472 : i32 to index
        %get3A_589 = arith.constant 16 : index
        %get3A_590 = tpu.vector_load %arg7[%get3A_586, %get3A_587, %get3A_588, %get3A_589] {strides = array<i32>} : memref<2x4x200x64xf32, #tpu.memory_space<vmem>>, vector<1x1x1x16xf32>,
        %get3A_591 = vector.shape_cast %get3A_590 : vector<1x1x1x16xf32> to vector<16xf32>
        %mul3A_592 = arith.constant 8.000000e+00 : f32
        %mul3A_593 = vector.broadcast %mul3A_592 : f32 to vector<16xf32>
        %mul3A_594 = arith.mulf %get3A_591, %mul3A_593 : vector<16xf32>
        %add3A_595 = arith.addf %mul3A_594, %get3A_562 : vector<16xf32>
        %swap3A_596 = arith.constant 1 : i32
        %swap3A_597 = arith.constant 1 : i32
        %swap3A_598 = arith.index_cast %swap3A_596 : i32 to index
        %swap3A_599 = arith.index_cast %swap3A_597 : i32 to index
        %swap3A_600 = arith.index_cast %scan3A_472 : i32 to index
        %swap3A_601 = arith.constant 16 : index
        %swap3A_602 = tpu.vector_load %arg7[%swap3A_598, %swap3A_599, %swap3A_600, %swap3A_601] {strides = array<i32>} : memref<2x4x200x64xf32, #tpu.memory_space<vmem>>, vector<1x1x1x16xf32>,
        %swap3A_603 = vector.shape_cast %swap3A_602 : vector<1x1x1x16xf32> to vector<16xf32>
        %swap3A_604 = vector.shape_cast %add3A_595 : vector<16xf32> to vector<1x1x1x16xf32>
        tpu.vector_store %arg7[%swap3A_598, %swap3A_599, %swap3A_600, %swap3A_601], %swap3A_604 {strides = array<i32>} : memref<2x4x200x64xf32, #tpu.memory_space<vmem>>, vector<1x1x1x16xf32>,
        %get3A_605 = arith.constant 1 : i32
        %get3A_606 = arith.constant 2 : i32
        %get3A_607 = arith.index_cast %get3A_605 : i32 to index
        %get3A_608 = arith.index_cast %get3A_606 : i32 to index
        %get3A_609 = arith.index_cast %scan3A_472 : i32 to index
        %get3A_610 = arith.constant 16 : index
        %get3A_611 = tpu.vector_load %arg7[%get3A_607, %get3A_608, %get3A_609, %get3A_610] {strides = array<i32>} : memref<2x4x200x64xf32, #tpu.memory_space<vmem>>, vector<1x1x1x16xf32>,
        %get3A_612 = vector.shape_cast %get3A_611 : vector<1x1x1x16xf32> to vector<16xf32>
        %mul3A_613 = arith.constant 8.000000e+00 : f32
        %mul3A_614 = vector.broadcast %mul3A_613 : f32 to vector<16xf32>
        %mul3A_615 = arith.mulf %get3A_612, %mul3A_614 : vector<16xf32>
        %add3A_616 = arith.addf %mul3A_615, %get3A_562 : vector<16xf32>
        %swap3A_617 = arith.constant 1 : i32
        %swap3A_618 = arith.constant 2 : i32
        %swap3A_619 = arith.index_cast %swap3A_617 : i32 to index
        %swap3A_620 = arith.index_cast %swap3A_618 : i32 to index
        %swap3A_621 = arith.index_cast %scan3A_472 : i32 to index
        %swap3A_622 = arith.constant 16 : index
        %swap3A_623 = tpu.vector_load %arg7[%swap3A_619, %swap3A_620, %swap3A_621, %swap3A_622] {strides = array<i32>} : memref<2x4x200x64xf32, #tpu.memory_space<vmem>>, vector<1x1x1x16xf32>,
        %swap3A_624 = vector.shape_cast %swap3A_623 : vector<1x1x1x16xf32> to vector<16xf32>
        %swap3A_625 = vector.shape_cast %add3A_616 : vector<16xf32> to vector<1x1x1x16xf32>
        tpu.vector_store %arg7[%swap3A_619, %swap3A_620, %swap3A_621, %swap3A_622], %swap3A_625 {strides = array<i32>} : memref<2x4x200x64xf32, #tpu.memory_space<vmem>>, vector<1x1x1x16xf32>,
        %get3A_626 = arith.constant 1 : i32
        %get3A_627 = arith.constant 3 : i32
        %get3A_628 = arith.index_cast %get3A_626 : i32 to index
        %get3A_629 = arith.index_cast %get3A_627 : i32 to index
        %get3A_630 = arith.index_cast %scan3A_472 : i32 to index
        %get3A_631 = arith.constant 16 : index
        %get3A_632 = tpu.vector_load %arg7[%get3A_628, %get3A_629, %get3A_630, %get3A_631] {strides = array<i32>} : memref<2x4x200x64xf32, #tpu.memory_space<vmem>>, vector<1x1x1x16xf32>,
        %get3A_633 = vector.shape_cast %get3A_632 : vector<1x1x1x16xf32> to vector<16xf32>
        %mul3A_634 = arith.constant 8.000000e+00 : f32
        %mul3A_635 = vector.broadcast %mul3A_634 : f32 to vector<16xf32>
        %mul3A_636 = arith.mulf %get3A_633, %mul3A_635 : vector<16xf32>
        %add3A_637 = arith.addf %mul3A_636, %get3A_562 : vector<16xf32>
        %swap3A_638 = arith.constant 1 : i32
        %swap3A_639 = arith.constant 3 : i32
        %swap3A_640 = arith.index_cast %swap3A_638 : i32 to index
        %swap3A_641 = arith.index_cast %swap3A_639 : i32 to index
        %swap3A_642 = arith.index_cast %scan3A_472 : i32 to index
        %swap3A_643 = arith.constant 16 : index
        %swap3A_644 = tpu.vector_load %arg7[%swap3A_640, %swap3A_641, %swap3A_642, %swap3A_643] {strides = array<i32>} : memref<2x4x200x64xf32, #tpu.memory_space<vmem>>, vector<1x1x1x16xf32>,
        %swap3A_645 = vector.shape_cast %swap3A_644 : vector<1x1x1x16xf32> to vector<16xf32>
        %swap3A_646 = vector.shape_cast %add3A_637 : vector<16xf32> to vector<1x1x1x16xf32>
        tpu.vector_store %arg7[%swap3A_640, %swap3A_641, %swap3A_642, %swap3A_643], %swap3A_646 {strides = array<i32>} : memref<2x4x200x64xf32, #tpu.memory_space<vmem>>, vector<1x1x1x16xf32>,
        %get3A_647 = arith.index_cast %scan3A_472 : i32 to index
        %get3A_648 = arith.constant 32 : index
        %get3A_649 = tpu.vector_load %arg8[%get3A_647, %get3A_648] {strides = array<i32>} : memref<200x64xf32, #tpu.memory_space<vmem>>, vector<1x16xf32>,
        %get3A_650 = vector.shape_cast %get3A_649 : vector<1x16xf32> to vector<16xf32>
        %get3A_651 = arith.constant 1 : i32
        %get3A_652 = arith.constant 0 : i32
        %get3A_653 = arith.index_cast %get3A_651 : i32 to index
        %get3A_654 = arith.index_cast %get3A_652 : i32 to index
        %get3A_655 = arith.index_cast %scan3A_472 : i32 to index
        %get3A_656 = arith.constant 32 : index
        %get3A_657 = tpu.vector_load %arg7[%get3A_653, %get3A_654, %get3A_655, %get3A_656] {strides = array<i32>} : memref<2x4x200x64xf32, #tpu.memory_space<vmem>>, vector<1x1x1x16xf32>,
        %get3A_658 = vector.shape_cast %get3A_657 : vector<1x1x1x16xf32> to vector<16xf32>
        %mul3A_659 = arith.constant 8.000000e+00 : f32
        %mul3A_660 = vector.broadcast %mul3A_659 : f32 to vector<16xf32>
        %mul3A_661 = arith.mulf %get3A_658, %mul3A_660 : vector<16xf32>
        %add3A_662 = arith.addf %mul3A_661, %get3A_650 : vector<16xf32>
        %swap3A_663 = arith.constant 1 : i32
        %swap3A_664 = arith.constant 0 : i32
        %swap3A_665 = arith.index_cast %swap3A_663 : i32 to index
        %swap3A_666 = arith.index_cast %swap3A_664 : i32 to index
        %swap3A_667 = arith.index_cast %scan3A_472 : i32 to index
        %swap3A_668 = arith.constant 32 : index
        %swap3A_669 = tpu.vector_load %arg7[%swap3A_665, %swap3A_666, %swap3A_667, %swap3A_668] {strides = array<i32>} : memref<2x4x200x64xf32, #tpu.memory_space<vmem>>, vector<1x1x1x16xf32>,
        %swap3A_670 = vector.shape_cast %swap3A_669 : vector<1x1x1x16xf32> to vector<16xf32>
        %swap3A_671 = vector.shape_cast %add3A_662 : vector<16xf32> to vector<1x1x1x16xf32>
        tpu.vector_store %arg7[%swap3A_665, %swap3A_666, %swap3A_667, %swap3A_668], %swap3A_671 {strides = array<i32>} : memref<2x4x200x64xf32, #tpu.memory_space<vmem>>, vector<1x1x1x16xf32>,
        %get3A_672 = arith.constant 1 : i32
        %get3A_673 = arith.constant 1 : i32
        %get3A_674 = arith.index_cast %get3A_672 : i32 to index
        %get3A_675 = arith.index_cast %get3A_673 : i32 to index
        %get3A_676 = arith.index_cast %scan3A_472 : i32 to index
        %get3A_677 = arith.constant 32 : index
        %get3A_678 = tpu.vector_load %arg7[%get3A_674, %get3A_675, %get3A_676, %get3A_677] {strides = array<i32>} : memref<2x4x200x64xf32, #tpu.memory_space<vmem>>, vector<1x1x1x16xf32>,
        %get3A_679 = vector.shape_cast %get3A_678 : vector<1x1x1x16xf32> to vector<16xf32>
        %mul3A_680 = arith.constant 8.000000e+00 : f32
        %mul3A_681 = vector.broadcast %mul3A_680 : f32 to vector<16xf32>
        %mul3A_682 = arith.mulf %get3A_679, %mul3A_681 : vector<16xf32>
        %add3A_683 = arith.addf %mul3A_682, %get3A_650 : vector<16xf32>
        %swap3A_684 = arith.constant 1 : i32
        %swap3A_685 = arith.constant 1 : i32
        %swap3A_686 = arith.index_cast %swap3A_684 : i32 to index
        %swap3A_687 = arith.index_cast %swap3A_685 : i32 to index
        %swap3A_688 = arith.index_cast %scan3A_472 : i32 to index
        %swap3A_689 = arith.constant 32 : index
        %swap3A_690 = tpu.vector_load %arg7[%swap3A_686, %swap3A_687, %swap3A_688, %swap3A_689] {strides = array<i32>} : memref<2x4x200x64xf32, #tpu.memory_space<vmem>>, vector<1x1x1x16xf32>,
        %swap3A_691 = vector.shape_cast %swap3A_690 : vector<1x1x1x16xf32> to vector<16xf32>
        %swap3A_692 = vector.shape_cast %add3A_683 : vector<16xf32> to vector<1x1x1x16xf32>
        tpu.vector_store %arg7[%swap3A_686, %swap3A_687, %swap3A_688, %swap3A_689], %swap3A_692 {strides = array<i32>} : memref<2x4x200x64xf32, #tpu.memory_space<vmem>>, vector<1x1x1x16xf32>,
        %get3A_693 = arith.constant 1 : i32
        %get3A_694 = arith.constant 2 : i32
        %get3A_695 = arith.index_cast %get3A_693 : i32 to index
        %get3A_696 = arith.index_cast %get3A_694 : i32 to index
        %get3A_697 = arith.index_cast %scan3A_472 : i32 to index
        %get3A_698 = arith.constant 32 : index
        %get3A_699 = tpu.vector_load %arg7[%get3A_695, %get3A_696, %get3A_697, %get3A_698] {strides = array<i32>} : memref<2x4x200x64xf32, #tpu.memory_space<vmem>>, vector<1x1x1x16xf32>,
        %get3A_700 = vector.shape_cast %get3A_699 : vector<1x1x1x16xf32> to vector<16xf32>
        %mul3A_701 = arith.constant 8.000000e+00 : f32
        %mul3A_702 = vector.broadcast %mul3A_701 : f32 to vector<16xf32>
        %mul3A_703 = arith.mulf %get3A_700, %mul3A_702 : vector<16xf32>
        %add3A_704 = arith.addf %mul3A_703, %get3A_650 : vector<16xf32>
        %swap3A_705 = arith.constant 1 : i32
        %swap3A_706 = arith.constant 2 : i32
        %swap3A_707 = arith.index_cast %swap3A_705 : i32 to index
        %swap3A_708 = arith.index_cast %swap3A_706 : i32 to index
        %swap3A_709 = arith.index_cast %scan3A_472 : i32 to index
        %swap3A_710 = arith.constant 32 : index
        %swap3A_711 = tpu.vector_load %arg7[%swap3A_707, %swap3A_708, %swap3A_709, %swap3A_710] {strides = array<i32>} : memref<2x4x200x64xf32, #tpu.memory_space<vmem>>, vector<1x1x1x16xf32>,
        %swap3A_712 = vector.shape_cast %swap3A_711 : vector<1x1x1x16xf32> to vector<16xf32>
        %swap3A_713 = vector.shape_cast %add3A_704 : vector<16xf32> to vector<1x1x1x16xf32>
        tpu.vector_store %arg7[%swap3A_707, %swap3A_708, %swap3A_709, %swap3A_710], %swap3A_713 {strides = array<i32>} : memref<2x4x200x64xf32, #tpu.memory_space<vmem>>, vector<1x1x1x16xf32>,
        %get3A_714 = arith.constant 1 : i32
        %get3A_715 = arith.constant 3 : i32
        %get3A_716 = arith.index_cast %get3A_714 : i32 to index
        %get3A_717 = arith.index_cast %get3A_715 : i32 to index
        %get3A_718 = arith.index_cast %scan3A_472 : i32 to index
        %get3A_719 = arith.constant 32 : index
        %get3A_720 = tpu.vector_load %arg7[%get3A_716, %get3A_717, %get3A_718, %get3A_719] {strides = array<i32>} : memref<2x4x200x64xf32, #tpu.memory_space<vmem>>, vector<1x1x1x16xf32>,
        %get3A_721 = vector.shape_cast %get3A_720 : vector<1x1x1x16xf32> to vector<16xf32>
        %mul3A_722 = arith.constant 8.000000e+00 : f32
        %mul3A_723 = vector.broadcast %mul3A_722 : f32 to vector<16xf32>
        %mul3A_724 = arith.mulf %get3A_721, %mul3A_723 : vector<16xf32>
        %add3A_725 = arith.addf %mul3A_724, %get3A_650 : vector<16xf32>
        %swap3A_726 = arith.constant 1 : i32
        %swap3A_727 = arith.constant 3 : i32
        %swap3A_728 = arith.index_cast %swap3A_726 : i32 to index
        %swap3A_729 = arith.index_cast %swap3A_727 : i32 to index
        %swap3A_730 = arith.index_cast %scan3A_472 : i32 to index
        %swap3A_731 = arith.constant 32 : index
        %swap3A_732 = tpu.vector_load %arg7[%swap3A_728, %swap3A_729, %swap3A_730, %swap3A_731] {strides = array<i32>} : memref<2x4x200x64xf32, #tpu.memory_space<vmem>>, vector<1x1x1x16xf32>,
        %swap3A_733 = vector.shape_cast %swap3A_732 : vector<1x1x1x16xf32> to vector<16xf32>
        %swap3A_734 = vector.shape_cast %add3A_725 : vector<16xf32> to vector<1x1x1x16xf32>
        tpu.vector_store %arg7[%swap3A_728, %swap3A_729, %swap3A_730, %swap3A_731], %swap3A_734 {strides = array<i32>} : memref<2x4x200x64xf32, #tpu.memory_space<vmem>>, vector<1x1x1x16xf32>,
        %get3A_735 = arith.index_cast %scan3A_472 : i32 to index
        %get3A_736 = arith.constant 48 : index
        %get3A_737 = tpu.vector_load %arg8[%get3A_735, %get3A_736] {strides = array<i32>} : memref<200x64xf32, #tpu.memory_space<vmem>>, vector<1x16xf32>,
        %get3A_738 = vector.shape_cast %get3A_737 : vector<1x16xf32> to vector<16xf32>
        %get3A_739 = arith.constant 1 : i32
        %get3A_740 = arith.constant 0 : i32
        %get3A_741 = arith.index_cast %get3A_739 : i32 to index
        %get3A_742 = arith.index_cast %get3A_740 : i32 to index
        %get3A_743 = arith.index_cast %scan3A_472 : i32 to index
        %get3A_744 = arith.constant 48 : index
        %get3A_745 = tpu.vector_load %arg7[%get3A_741, %get3A_742, %get3A_743, %get3A_744] {strides = array<i32>} : memref<2x4x200x64xf32, #tpu.memory_space<vmem>>, vector<1x1x1x16xf32>,
        %get3A_746 = vector.shape_cast %get3A_745 : vector<1x1x1x16xf32> to vector<16xf32>
        %mul3A_747 = arith.constant 8.000000e+00 : f32
        %mul3A_748 = vector.broadcast %mul3A_747 : f32 to vector<16xf32>
        %mul3A_749 = arith.mulf %get3A_746, %mul3A_748 : vector<16xf32>
        %add3A_750 = arith.addf %mul3A_749, %get3A_738 : vector<16xf32>
        %swap3A_751 = arith.constant 1 : i32
        %swap3A_752 = arith.constant 0 : i32
        %swap3A_753 = arith.index_cast %swap3A_751 : i32 to index
        %swap3A_754 = arith.index_cast %swap3A_752 : i32 to index
        %swap3A_755 = arith.index_cast %scan3A_472 : i32 to index
        %swap3A_756 = arith.constant 48 : index
        %swap3A_757 = tpu.vector_load %arg7[%swap3A_753, %swap3A_754, %swap3A_755, %swap3A_756] {strides = array<i32>} : memref<2x4x200x64xf32, #tpu.memory_space<vmem>>, vector<1x1x1x16xf32>,
        %swap3A_758 = vector.shape_cast %swap3A_757 : vector<1x1x1x16xf32> to vector<16xf32>
        %swap3A_759 = vector.shape_cast %add3A_750 : vector<16xf32> to vector<1x1x1x16xf32>
        tpu.vector_store %arg7[%swap3A_753, %swap3A_754, %swap3A_755, %swap3A_756], %swap3A_759 {strides = array<i32>} : memref<2x4x200x64xf32, #tpu.memory_space<vmem>>, vector<1x1x1x16xf32>,
        %get3A_760 = arith.constant 1 : i32
        %get3A_761 = arith.constant 1 : i32
        %get3A_762 = arith.index_cast %get3A_760 : i32 to index
        %get3A_763 = arith.index_cast %get3A_761 : i32 to index
        %get3A_764 = arith.index_cast %scan3A_472 : i32 to index
        %get3A_765 = arith.constant 48 : index
        %get3A_766 = tpu.vector_load %arg7[%get3A_762, %get3A_763, %get3A_764, %get3A_765] {strides = array<i32>} : memref<2x4x200x64xf32, #tpu.memory_space<vmem>>, vector<1x1x1x16xf32>,
        %get3A_767 = vector.shape_cast %get3A_766 : vector<1x1x1x16xf32> to vector<16xf32>
        %mul3A_768 = arith.constant 8.000000e+00 : f32
        %mul3A_769 = vector.broadcast %mul3A_768 : f32 to vector<16xf32>
        %mul3A_770 = arith.mulf %get3A_767, %mul3A_769 : vector<16xf32>
        %add3A_771 = arith.addf %mul3A_770, %get3A_738 : vector<16xf32>
        %swap3A_772 = arith.constant 1 : i32
        %swap3A_773 = arith.constant 1 : i32
        %swap3A_774 = arith.index_cast %swap3A_772 : i32 to index
        %swap3A_775 = arith.index_cast %swap3A_773 : i32 to index
        %swap3A_776 = arith.index_cast %scan3A_472 : i32 to index
        %swap3A_777 = arith.constant 48 : index
        %swap3A_778 = tpu.vector_load %arg7[%swap3A_774, %swap3A_775, %swap3A_776, %swap3A_777] {strides = array<i32>} : memref<2x4x200x64xf32, #tpu.memory_space<vmem>>, vector<1x1x1x16xf32>,
        %swap3A_779 = vector.shape_cast %swap3A_778 : vector<1x1x1x16xf32> to vector<16xf32>
        %swap3A_780 = vector.shape_cast %add3A_771 : vector<16xf32> to vector<1x1x1x16xf32>
        tpu.vector_store %arg7[%swap3A_774, %swap3A_775, %swap3A_776, %swap3A_777], %swap3A_780 {strides = array<i32>} : memref<2x4x200x64xf32, #tpu.memory_space<vmem>>, vector<1x1x1x16xf32>,
        %get3A_781 = arith.constant 1 : i32
        %get3A_782 = arith.constant 2 : i32
        %get3A_783 = arith.index_cast %get3A_781 : i32 to index
        %get3A_784 = arith.index_cast %get3A_782 : i32 to index
        %get3A_785 = arith.index_cast %scan3A_472 : i32 to index
        %get3A_786 = arith.constant 48 : index
        %get3A_787 = tpu.vector_load %arg7[%get3A_783, %get3A_784, %get3A_785, %get3A_786] {strides = array<i32>} : memref<2x4x200x64xf32, #tpu.memory_space<vmem>>, vector<1x1x1x16xf32>,
        %get3A_788 = vector.shape_cast %get3A_787 : vector<1x1x1x16xf32> to vector<16xf32>
        %mul3A_789 = arith.constant 8.000000e+00 : f32
        %mul3A_790 = vector.broadcast %mul3A_789 : f32 to vector<16xf32>
        %mul3A_791 = arith.mulf %get3A_788, %mul3A_790 : vector<16xf32>
        %add3A_792 = arith.addf %mul3A_791, %get3A_738 : vector<16xf32>
        %swap3A_793 = arith.constant 1 : i32
        %swap3A_794 = arith.constant 2 : i32
        %swap3A_795 = arith.index_cast %swap3A_793 : i32 to index
        %swap3A_796 = arith.index_cast %swap3A_794 : i32 to index
        %swap3A_797 = arith.index_cast %scan3A_472 : i32 to index
        %swap3A_798 = arith.constant 48 : index
        %swap3A_799 = tpu.vector_load %arg7[%swap3A_795, %swap3A_796, %swap3A_797, %swap3A_798] {strides = array<i32>} : memref<2x4x200x64xf32, #tpu.memory_space<vmem>>, vector<1x1x1x16xf32>,
        %swap3A_800 = vector.shape_cast %swap3A_799 : vector<1x1x1x16xf32> to vector<16xf32>
        %swap3A_801 = vector.shape_cast %add3A_792 : vector<16xf32> to vector<1x1x1x16xf32>
        tpu.vector_store %arg7[%swap3A_795, %swap3A_796, %swap3A_797, %swap3A_798], %swap3A_801 {strides = array<i32>} : memref<2x4x200x64xf32, #tpu.memory_space<vmem>>, vector<1x1x1x16xf32>,
        %get3A_802 = arith.constant 1 : i32
        %get3A_803 = arith.constant 3 : i32
        %get3A_804 = arith.index_cast %get3A_802 : i32 to index
        %get3A_805 = arith.index_cast %get3A_803 : i32 to index
        %get3A_806 = arith.index_cast %scan3A_472 : i32 to index
        %get3A_807 = arith.constant 48 : index
        %get3A_808 = tpu.vector_load %arg7[%get3A_804, %get3A_805, %get3A_806, %get3A_807] {strides = array<i32>} : memref<2x4x200x64xf32, #tpu.memory_space<vmem>>, vector<1x1x1x16xf32>,
        %get3A_809 = vector.shape_cast %get3A_808 : vector<1x1x1x16xf32> to vector<16xf32>
        %mul3A_810 = arith.constant 8.000000e+00 : f32
        %mul3A_811 = vector.broadcast %mul3A_810 : f32 to vector<16xf32>
        %mul3A_812 = arith.mulf %get3A_809, %mul3A_811 : vector<16xf32>
        %add3A_813 = arith.addf %mul3A_812, %get3A_738 : vector<16xf32>
        %swap3A_814 = arith.constant 1 : i32
        %swap3A_815 = arith.constant 3 : i32
        %swap3A_816 = arith.index_cast %swap3A_814 : i32 to index
        %swap3A_817 = arith.index_cast %swap3A_815 : i32 to index
        %swap3A_818 = arith.index_cast %scan3A_472 : i32 to index
        %swap3A_819 = arith.constant 48 : index
        %swap3A_820 = tpu.vector_load %arg7[%swap3A_816, %swap3A_817, %swap3A_818, %swap3A_819] {strides = array<i32>} : memref<2x4x200x64xf32, #tpu.memory_space<vmem>>, vector<1x1x1x16xf32>,
        %swap3A_821 = vector.shape_cast %swap3A_820 : vector<1x1x1x16xf32> to vector<16xf32>
        %swap3A_822 = vector.shape_cast %add3A_813 : vector<16xf32> to vector<1x1x1x16xf32>
        tpu.vector_store %arg7[%swap3A_816, %swap3A_817, %swap3A_818, %swap3A_819], %swap3A_822 {strides = array<i32>} : memref<2x4x200x64xf32, #tpu.memory_space<vmem>>, vector<1x1x1x16xf32>,
      }
      %scan3A_449 = arith.constant 200 : i32
      %mul3A_450 = arith.constant 32 : i32
      %mul3A_451 = arith.muli %add3A, %mul3A_450 : i32
      %mul3A_452 = arith.constant 4 : i32
      %mul3A_453 = arith.muli %add3A_303, %mul3A_452 : i32
      %add3A_454 = arith.addi %mul3A_451, %mul3A_453 : i32
      %dma_start3A_455 = arith.constant 1 : i32
      %dma_start3A_456 = arith.constant 0 : i32
      %dma_start3A_457 = arith.constant 0 : i32
      %dma_start3A_458 = arith.constant 0 : i32
      %dma_start3A_459 = tpu.memref_slice %arg7[%dma_start3A_455, %dma_start3A_456, %dma_start3A_457, %dma_start3A_458] : memref<2x4x200x64xf32, #tpu.memory_space<vmem>> -> memref<1x4x200x64xf32, #tpu.memory_space<vmem>>
      %dma_start3A_460 = tpu.memref_squeeze %dma_start3A_459 : memref<1x4x200x64xf32, #tpu.memory_space<vmem>> -> memref<4x200x64xf32, #tpu.memory_space<vmem>>
      %dma_start3A_461 = arith.constant 0 : i32
      %dma_start3A_462 = arith.constant 0 : i32
      %dma_start3A_463 = tpu.memref_slice %arg5[%add3A_454, %dma_start3A_461, %dma_start3A_462] : memref<1024x200x128xf32, #tpu.memory_space<hbm>> -> memref<4x200x64xf32, #tpu.memory_space<hbm>>
      %dma_start3A_464 = arith.constant 0 : i32
      %dma_start3A_465 = arith.constant 0 : i32
      %dma_start3A_466 = tpu.memref_slice %arg5[%add3A_454, %dma_start3A_464, %dma_start3A_465] : memref<1024x200x128xf32, #tpu.memory_space<hbm>> -> memref<4x200x64xf32, #tpu.memory_space<hbm>>
      %dma_start3A_467 = arith.constant 0 : i32
      %dma_start3A_468 = arith.constant 0 : i32
      %dma_start3A_469 = arith.constant 0 : i32
      %dma_start3A_470 = tpu.memref_slice %arg7[%dma_start3A_455, %dma_start3A_467, %dma_start3A_468, %dma_start3A_469] : memref<2x4x200x64xf32, #tpu.memory_space<vmem>> -> memref<1x4x200x64xf32, #tpu.memory_space<vmem>>
      %dma_start3A_471 = tpu.memref_squeeze %dma_start3A_470 : memref<1x4x200x64xf32, #tpu.memory_space<vmem>> -> memref<4x200x64xf32, #tpu.memory_space<vmem>>
      tpu.enqueue_dma source(%dma_start3A_471 : memref<4x200x64xf32, #tpu.memory_space<vmem>>) target(%dma_start3A_466 : memref<4x200x64xf32, #tpu.memory_space<hbm>>) target_semaphore(%arg11 : memref<!tpu.dma_semaphore, #tpu.memory_space<semaphore_mem>>)
    }
    %scan3A_110 = arith.constant 4 : i32
    %mul3A_111 = arith.constant 32 : i32
    %mul3A_112 = arith.muli %add3A, %mul3A_111 : i32
    %add3A_113 = arith.constant 28 : i32
    %add3A_114 = arith.addi %mul3A_112, %add3A_113 : i32
    %dma_wait3A = arith.constant 1 : i32
    %dma_wait3A_115 = arith.constant 0 : i32
    %dma_wait3A_116 = arith.constant 0 : i32
    %dma_wait3A_117 = arith.constant 0 : i32
    %dma_wait3A_118 = tpu.memref_slice %arg7[%dma_wait3A, %dma_wait3A_115, %dma_wait3A_116, %dma_wait3A_117] : memref<2x4x200x64xf32, #tpu.memory_space<vmem>> -> memref<1x4x200x64xf32, #tpu.memory_space<vmem>>
    %dma_wait3A_119 = tpu.memref_squeeze %dma_wait3A_118 : memref<1x4x200x64xf32, #tpu.memory_space<vmem>> -> memref<4x200x64xf32, #tpu.memory_space<vmem>>
    %dma_wait3A_120 = arith.constant 0 : i32
    %dma_wait3A_121 = arith.constant 0 : i32
    %dma_wait3A_122 = tpu.memref_slice %arg5[%add3A_114, %dma_wait3A_120, %dma_wait3A_121] : memref<1024x200x128xf32, #tpu.memory_space<hbm>> -> memref<4x200x64xf32, #tpu.memory_space<hbm>>
    %dma_wait3A_123 = arith.constant 0 : i32
    %dma_wait3A_124 = arith.constant 0 : i32
    %dma_wait3A_125 = tpu.memref_slice %arg5[%add3A_114, %dma_wait3A_123, %dma_wait3A_124] : memref<1024x200x128xf32, #tpu.memory_space<hbm>> -> memref<4x200x64xf32, #tpu.memory_space<hbm>>
    %dma_wait3A_126 = arith.constant 0 : i32
    %dma_wait3A_127 = arith.constant 0 : i32
    %dma_wait3A_128 = arith.constant 0 : i32
    %dma_wait3A_129 = tpu.memref_slice %arg7[%dma_wait3A, %dma_wait3A_126, %dma_wait3A_127, %dma_wait3A_128] : memref<2x4x200x64xf32, #tpu.memory_space<vmem>> -> memref<1x4x200x64xf32, #tpu.memory_space<vmem>>
    %dma_wait3A_130 = tpu.memref_squeeze %dma_wait3A_129 : memref<1x4x200x64xf32, #tpu.memory_space<vmem>> -> memref<4x200x64xf32, #tpu.memory_space<vmem>>
    tpu.wait_dma2 semaphore(%arg11 : memref<!tpu.dma_semaphore, #tpu.memory_space<semaphore_mem>>) src(%dma_wait3A_130 : memref<4x200x64xf32, #tpu.memory_space<vmem>>) dst(%dma_wait3A_125 : memref<4x200x64xf32, #tpu.memory_space<hbm>>)
    return
  }
}

</mosaic_0001>

<sc_bundles>
// kernel: kernel.3.cloned.1.call-start
scs
__scs_entry_jumppad:
0x0: {  	(pc) =	sbr.rel $0x88, $3  }
0x1: {  	(tag) =	ssettag $0x0;
	lr =	simm.s32 $0x1  }
0x2: {  	[smem:$0x3F9F] =	sst lr;
	_ =	strace $0xD0000000  }
0x3: {  	_ = 	snop  }
0x4: {  	_ = 	snop  }
0x5: {  	_ = 	snop  }
0x6: {  	_ = 	snop  }
0x7: {  	_ = 	snop  }
__scs_overlays_trampoline_lowered:
0x8: {  	[smem:$0x3FAE] =	sst s0  }
0x9: {  	[smem:$0x3FAF] =	sst s1  }
0xa: {  	[smem:$0x3FB0] =	sst s2  }
0xb: {  	[smem:$0x3FB1] =	sst s3  }
0xc: {  	[smem:$0x3FB2] =	sst s4  }
0xd: {  	[smem:$0x3FB3] =	sst s5  }
0xe: {  	[smem:$0x3FB4] =	sst s6  }
0xf: {  	[smem:$0x3FB5] =	sst s7  }
0x10: {  	[smem:$0x3FB6] =	sst s8  }
0x11: {  	[smem:$0x3FB7] =	sst s9;
	s0 =	simm.s32 @!p0 $0x0  }
0x12: {  	s1 =	sld [smem:$0x3F9D];
	s0 =	simm.s32 @p0 $0x1  }
0x13: {  	[smem:$0x3FB8] =	sst s0;
	s0 =	simm.s32 @!p1 $0x0  }
0x14: {  	s2 =	sld [smem:$0x3F9C];
	s0 =	simm.s32 @p1 $0x1  }
0x15: {  	[smem:$0x3FB9] =	sst s0;
	s0 =	simm.s32 @!p2 $0x0  }
0x16: {  	s3 =	sld [smem:$0x3FDB];
	s0 =	simm.s32 @p2 $0x1  }
0x17: {  	s4 =	simm.s32 $0x1BF5;
	[smem:$0x3FBB] =	sst s0  }
0x18: {  	s0 =	sld [smem:$0x3F9E];
	_ =	swait.ge [sflag:s4], $0x0  }
0x19: {  	s7 =	sld [smem:$0x3F9F]  }
0x1a: {  	s8 =	sadd.s32 $0xFFFFE003, lr  }
0x1b: {  	s9 =	sadd.s32 $0xFFFFFEF7, lr;
	s5 =	simm.s32 $0xFFFFFFFF;
	p2 =	slt.u32 s8, $0xFFFFF086  }
0x1c: {  	p1 =	slt.u32 s9, $0xF7A;
	s5 =	simm.s32 @!p2 $0x0  }
0x1d: {  	s5 =	simm.s32 @p1 $0x1;
	p0 =	seq.s32 s7, s2  }
0x1e: {  	s7 =	smul.u32 @!p0 $0xF7A, s2;
	p2 =	seq.s32 @!p0 s5, $0x0  }
0x1f: {  	s9 =	smul.u32 $0xF7A, s1;
	s8 =	simm.s32 @!p0 $0x1BF5;
	p2 =	por !p2, p0  }
0x20: {  	[sflag:s8] =	ssyncset.s32 @!p0 $0xFFFFF086;
	s6 =	sadd.s32 @!p0 s3, s7;
	s7 =	simm.s32 @!p0 $0x108  }
0x21: {  	s3 =	sadd.s32 s3, s9;
	s6 =	sadd.s32 @!p0 $0x88, s6;
	s7 =	simm.s32 @p2 $0x1082  }
0x22: {  	[simem:s7], [sflag:s8] =	dma.local @!p0 [hbm:s6], $0xF7A  }
0x23: {  	s9 =	sor.u32 $0xD0000000, s2;
	s6 =	simm.s32 $0x108;
	_ =	swait.ge @!p0 [sflag:s8], $0x0  }
0x24: {  	s3 =	sadd.s32 $0x88, s3;
	s6 =	simm.s32 @!p1 $0x1082;
	[sflag:s4] =	ssyncset.s32 $0xFFFFF086  }
0x25: {  	[simem:s6], [sflag:s4] =	dma.local [hbm:s3], $0xF7A  }
0x26: {  	[smem:$0x3F9F] =	sst s1;
	(tag) =	ssettag s2;
	_ =	strace s9  }
0x27: {  	s1 =	sld [smem:$0x3FAF]  }
0x28: {  	s2 =	sld [smem:$0x3FB0]  }
0x29: {  	s4 =	sld [smem:$0x3FB2]  }
0x2a: {  	p0 =	seq.s32 s5, $0x0;
	s5 =	sld [smem:$0x3FB3]  }
0x2b: {  	s6 =	sld [smem:$0x3FB4]  }
0x2c: {  	s7 =	sld [smem:$0x3FB5]  }
0x2d: {  	s3 =	simm.s32 $0x108;
	s8 =	sld [smem:$0x3FB6]  }
0x2e: {  	s3 =	simm.s32 @!p0 $0x1082;
	s9 =	sld [smem:$0x3FB7]  }
0x2f: {  	lr =	sadd.s32 s0, s3;
	s0 =	sld [smem:$0x3FAE]  }
0x30: {  	s3 =	sld [smem:$0x3FB1]  }
0x31: {  	[smem:$0x3FBA] =	sst s10  }
0x32: {  	s10 =	sld [smem:$0x3FB8];
	_ =	sdelay $0x3  }
0x33: {  	p0 =	seq.s32 s10, $0x1;
	s10 =	sld [smem:$0x3FBA];
	_ =	sdelay $0x3  }
0x34: {  	[smem:$0x3FBA] =	sst s10  }
0x35: {  	s10 =	sld [smem:$0x3FB9];
	_ =	sdelay $0x3  }
0x36: {  	p1 =	seq.s32 s10, $0x1;
	s10 =	sld [smem:$0x3FBA];
	_ =	sdelay $0x3  }
0x37: {  	[smem:$0x3FBA] =	sst s10  }
0x38: {  	s10 =	sld [smem:$0x3FBB]  }
0x39: {  	_ = 	snop;
	(pc) =	sbr.ind lr, $3  }
0x3a: {  	_ = 	snop  }
0x3b: {  	_ = 	snop  }
0x3c: {  	p2 =	seq.s32 s10, $0x1;
	s10 =	sld [smem:$0x3FBA]  }
0x3d: {  	_ =	shalt  }
0x3e: {  	_ =	shalt  }
0x3f: {  	_ =	shalt  }
0x40: {  	_ =	shalt  }
0x41: {  	_ =	shalt  }
0x42: {  	_ =	shalt  }
0x43: {  	_ =	shalt  }
0x44: {  	_ =	shalt  }
0x45: {  	_ =	shalt  }
0x46: {  	_ =	shalt  }
0x47: {  	_ =	shalt  }
0x48: {  	_ =	shalt  }
0x49: {  	_ =	shalt  }
0x4a: {  	_ =	shalt  }
0x4b: {  	_ =	shalt  }
0x4c: {  	_ =	shalt  }
0x4d: {  	_ =	shalt  }
0x4e: {  	_ =	shalt  }
0x4f: {  	_ =	shalt  }
0x50: {  	_ =	shalt  }
0x51: {  	_ =	shalt  }
0x52: {  	_ =	shalt  }
0x53: {  	_ =	shalt  }
0x54: {  	_ =	shalt  }
0x55: {  	_ =	shalt  }
0x56: {  	_ =	shalt  }
0x57: {  	_ =	shalt  }
0x58: {  	_ =	shalt  }
0x59: {  	_ =	shalt  }
0x5a: {  	_ =	shalt  }
0x5b: {  	_ =	shalt  }
0x5c: {  	_ =	shalt  }
0x5d: {  	_ =	shalt  }
0x5e: {  	_ =	shalt  }
0x5f: {  	_ =	shalt  }
0x60: {  	_ =	shalt  }
0x61: {  	_ =	shalt  }
0x62: {  	_ =	shalt  }
0x63: {  	_ =	shalt  }
0x64: {  	_ =	shalt  }
0x65: {  	_ =	shalt  }
0x66: {  	_ =	shalt  }
0x67: {  	_ =	shalt  }
0x68: {  	_ =	shalt  }
0x69: {  	_ =	shalt  }
0x6a: {  	_ =	shalt  }
0x6b: {  	_ =	shalt  }
0x6c: {  	_ =	shalt  }
0x6d: {  	_ =	shalt  }
0x6e: {  	_ =	shalt  }
0x6f: {  	_ =	shalt  }
0x70: {  	_ =	shalt  }
0x71: {  	_ =	shalt  }
0x72: {  	_ =	shalt  }
0x73: {  	_ =	shalt  }
0x74: {  	_ =	shalt  }
0x75: {  	_ =	shalt  }
0x76: {  	_ =	shalt  }
0x77: {  	_ =	shalt  }
0x78: {  	_ =	shalt  }
0x79: {  	_ =	shalt  }
0x7a: {  	_ =	shalt  }
0x7b: {  	_ =	shalt  }
0x7c: {  	_ =	shalt  }
0x7d: {  	_ =	shalt  }
0x7e: {  	_ =	shalt  }
0x7f: {  	_ =	shalt  }
0x80: {  	_ =	shalt  }
0x81: {  	_ =	shalt  }
0x82: {  	_ =	shalt  }
0x83: {  	_ =	shalt  }
0x84: {  	_ =	shalt  }
0x85: {  	_ =	shalt  }
0x86: {  	_ =	shalt  }
0x87: {  	_ =	shalt  }
.Lfunc_end0:
.L_simem_size_0:
called_computation.1_lowered:
.L_overlay_start_0:
0x88: {  	s2 =	sld [smem:$0x3FD9]  }
0x89: {  	s3 =	sld [smem:$0x3FFE];
	_ =	sdelay $0x1  }
0x8a: {  	s1 =	srdreg.scid  }
0x8b: {  	s0 =	sand.u32 $0x1, s1  }
0x8c: {  	s17 =	sshll.u32 s0, $0xA;
	s2 =	sadd.s32 s3, s2  }
0x8d: {  	s2 =	sadd.s32 s2, s17  }
0x8e: {  	[smem:$0x3FC6] =	sst s2  }
0x8f: {  	_ = 	snop  }
0x90: {  	s2 =	sld [smem:$0x3FD0];
	(tm) =	ssettm $0x1  }
0x91: {  	s18 =	sld [smem:$0x3FFB];
	_ =	sdelay $0x3  }
0x92: {  	_ =	strace s18  }
0x93: {  	s3 =	sld [smem:$0x3FFC];
	_ =	sdelay $0x3  }
0x94: {  	_ =	strace s3  }
0x95: {  	s3 =	sld [smem:$0x3FFD];
	_ =	sdelay $0x3  }
0x96: {  	_ =	strace s3  }
0x97: {  	_ =	strace $0x8FFFFFFF  }
0x98: {  	s19 =	sld [smem:$0x3FDB];
	_ =	sdelay $0x1  }
0x99: {  	s4 =	simm.s32 $_scs_section_size  }
0x9a: {  	s5 =	simm.s32 $_size__tile_overlayer_lowered;
	s6 =	simm.s32 $_tile_overlayer_lowered  }
0x9b: {  	s22 =	simm.s32 $0x1BFF;
	s21 =	sshll.u32 s6, $0x1;
	s3 =	sadd.s32 s4, s19  }
0x9c: {  	s7 =	simm.s32 $0x0;
	s20 =	sshll.u32 s5, $0x1;
	s5 =	sadd.s32 s21, s3  }
0x9d: {  	[timem:s7], [sflag:s22] =	dma.local [hbm:s5], s20  }
0x9e: {  	_ =	swait.ge [sflag:s22], s20  }
0x9f: {  	s4 =	ssub.s32 $0x0, s20;
	[sflag:s22] =	ssyncset.done $0x0  }
0xa0: {  	[sflag:s22] =	ssyncadd.s32 s4;
	_ =	sdelay $0x1  }
0xa1: {  	s23 =	simm.s32 $0x1B8B  }
0xa2: {  	_ =	swait.ge [sflag:s23], $0x1  }
0xa3: {  	[sflag:s23] =	ssyncset.done $0x0  }
0xa4: {  	s25 =	simm.s32 $0x1B8E;
	s24 =	sld [smem:$0x3FFE];
	[sflag:s23] =	ssyncadd.s32 $0xFFFFFFFF  }
0xa5: {  	s26 =	simm.s32 $execute0_lowered;
	[smem:$0x3FD2] =	sst s25  }
0xa6: {  	s5 =	sshll.u32 s26, $0x1;
	_ =	strace $0x80000046;
	[dreg:$0x1] =	wrdreg $0xFFFFFFFF  }
0xa7: {  	s28 =	simm.s32 $_size_execute0_lowered;
	s3 =	sadd.s32 s3, s5;
	[dreg:$0x0] =	wrdreg $0x0  }
0xa8: {  	s5 =	sshll.u32 s28, $0x1;
	[dreg:$0x2] =	wrdreg s3  }
0xa9: {  	[dreg:$0x3] =	wrdreg s5  }
0xaa: {  	[dreg:$0x4] =	wrdreg $0xC0  }
0xab: {  	_ =	task [dreg:s7], $0x5FFFF  }
0xac: {  	[dreg:$0x1] =	wrdreg $0xFFFFFFFF  }
0xad: {  	[dreg:$0x0] =	wrdreg $0x60  }
0xae: {  	[dreg:$0x2] =	wrdreg s2  }
0xaf: {  	[dreg:$0x3] =	wrdreg s24  }
0xb0: {  	[dreg:$0x4] =	wrdreg $0x9  }
0xb1: {  	_ =	task.clear_ibuf [dreg:s7], $0x5FFFF;
	_ =	strace $0x90000046  }
0xb2: {  	s29 =	simm.s32 $0x9;
	_ =	strace $0x80000048  }
0xb3: {  	_ =	swait.ge [sflag:s29], $0x1  }
0xb4: {  	[sflag:s29] =	ssyncadd.s32 $0xFFFFFFFF  }
0xb5: {  	_ =	strace $0x90000048  }
0xb6: {  	_ =	sfence  }
0xb7: {  	s30 =	sld [smem:$0x0];
	_ =	sdelay $0x2  }
0xb8: {  	s31 =	sshll.u32 s1, $0xD;
	s1 =	sshrl.u32 s1, $0x2  }
0xb9: {  	s3 =	sand.u32 $0x4000, s31;
	s1 =	sadd.s32 s1, s30  }
0xba: {  	s0 =	sor.u32 s3, s0;
	s1 =	sshll.u32 s1, $0x11  }
0xbb: {  	s0 =	sor.u32 s1, s0  }
0xbc: {  	s0 =	sadd.s32 $0x8F2B, s0  }
0xbd: {  	[sflag:s0] =	ssyncadd.remote.s32 $0x1  }
0xbe: {  	_ =	sfence.sel $0xFFFF  }
0xbf: {  	[dreg:$0x0] =	wrdreg $0xFFFFFFFF;
	(pc) =	sbr.abs _section_cstart, $3  }
0xc0: {  	[dreg:$0x1] =	wrdreg $0xFFFFFFFF  }
0xc1: {  	_ =	task.clear_ibuf [dreg:s7], $0x2FFFF;
	_ =	strace $0x9FFFFFFF  }
0xc2: {  	(tm) =	ssettm $0x7FFFFFFF  }
0xc3: {  	_ =	shalt  }
tec
execute0_lowered:
.L_overlay_start_1:
0x0: {  	(tag) =	ssettag $0x1  }
0x1: {  	s0 =	rddreg [dreg:$0x0]  }
0x2: {  	s1 =	rddreg [dreg:$0x1]  }
0x3: {  	s2 =	simm.s32 $0x0;
	s3 =	srdreg.scid;
	s5 =	stileid.u32  }
0x4: {  	s10 =	simm.s32 $0x4;
	s11 =	simm.s32 $0x64;
	s12 =	simm.s32 $0x1A00  }
0x5: {  	s28 =	simm.s32 $0xE200;
	s29 =	simm.s32 $0xFB00;
	s30 =	simm.s32 $0x11400  }
0x6: {  	s31 =	simm.s32 $0x12D00;
	s9 =	simm.s32 $0x17800;
	s13 =	simm.s32 $0x19100  }
0x7: {  	s14 =	simm.s32 $0x1;
	s15 =	simm.s32 $0x40;
	s16 =	simm.s32 $0x80  }
0x8: {  	s17 =	simm.s32 $0x3;
	s18 =	simm.s32 $0x2;
	s19 =	simm.s32 $0x0  }
0x9: {  	[smem:$0x7FF] =	sst s2;
	s4 =	sand.u32 $0x1, s3;
	s25 =	sshll.u32 s5, $0x1  }
0xa: {  	s3 =	sadd.s32 $0xF43000, s1;
	s5 =	sadd.s32 $0xC00, s1;
	s7 =	sor.u32 s4, s25  }
0xb: {  	_ =	strace $0x80000047;
	s6 =	ssub.s32 $0x2, s4;
	s8 =	smul.u32 $0x340, s7  }
0xc: {  	s4 =	sadd.s32 $0x400, s1;
	s26 =	sshrl.u32 s6, $0x1;
	s7 =	sshll.u32 s7, $0x5  }
0xd: {  	s1 =	ssub.s32 s6, s26;
	s26 =	simm.s32 $0xC900;
	s6 =	sadd.s32 s0, s8  }
0xe: {  	s8 =	smax.u32 s1, $0x1;
	s0 =	simm.s32 $0x14600;
	s1 =	simm.s32 $0x15F00  }
.LBB2_1:
0xf: {  	s20 =	simm.s32 $0x1AA00  }
0x10: {  	[tilespmem:s20], [sflag:$0x4] =	stream.linear.gather [hbm4b:s4+s2], $0x3200, $0x38;
	[tilespmem:$0x1DC00] =	vst v63  }
0x11: {  	_ =	swait.ge [sflag:s10], $0x3200  }
0x12: {  	[sflag:s10] =	ssyncset.done $0x0  }
0x13: {  	[sflag:s10] =	ssyncadd.s32 $0xFFFFCE00  }
0x14: {  	[tilespmem:s2], [sflag:$0x4] =	stream.linear.gather [hbm4b:s6+s2], $0x1A00, $0x38;
	[tilespmem:$0x1DC00] =	vst v63  }
0x15: {  	_ =	swait.ge [sflag:s10], $0x1A00  }
0x16: {  	[sflag:s10] =	ssyncset.done $0x0  }
0x17: {  	[sflag:s10] =	ssyncadd.s32 $0xFFFFE600  }
0x18: {  	[tilespmem:s12], [sflag:$0x1] =	stream.indirect.gather [hbm4b:s3+s11], $0x40, s2, s11, $0xb8;
	[tilespmem:$0x1DC00] =	vst v63  }
0x19: {  	s23 =	simm.s32 $0x68;
	s21 =	simm.s32 $0x3300  }
0x1a: {  	[tilespmem:s21], [sflag:$0x1] =	stream.indirect.gather [hbm4b:s3+s11], $0x40, s23, s11, $0xb8;
	[tilespmem:$0x1DC00] =	vst v63  }
0x1b: {  	s24 =	simm.s32 $0xD0;
	s25 =	simm.s32 $0x4C00  }
0x1c: {  	[tilespmem:s25], [sflag:$0x1] =	stream.indirect.gather [hbm4b:s3+s11], $0x40, s24, s11, $0xb8;
	[tilespmem:$0x1DC00] =	vst v63  }
0x1d: {  	s22 =	simm.s32 $0x138;
	s23 =	simm.s32 $0x6500  }
0x1e: {  	[tilespmem:s23], [sflag:$0x1] =	stream.indirect.gather [hbm4b:s3+s11], $0x40, s22, s11, $0xb8;
	[tilespmem:$0x1DC00] =	vst v63  }
0x1f: {  	s24 =	simm.s32 $0x1A0;
	s25 =	simm.s32 $0x7E00  }
0x20: {  	[tilespmem:s25], [sflag:$0x1] =	stream.indirect.gather [hbm4b:s3+s11], $0x40, s24, s11, $0xb8;
	[tilespmem:$0x1DC00] =	vst v63  }
0x21: {  	s21 =	simm.s32 $0x208;
	s22 =	simm.s32 $0x9700  }
0x22: {  	[tilespmem:s22], [sflag:$0x1] =	stream.indirect.gather [hbm4b:s3+s11], $0x40, s21, s11, $0xb8;
	[tilespmem:$0x1DC00] =	vst v63  }
0x23: {  	s23 =	simm.s32 $0x270;
	s24 =	simm.s32 $0xB000  }
0x24: {  	[tilespmem:s24], [sflag:$0x1] =	stream.indirect.gather [hbm4b:s3+s11], $0x40, s23, s11, $0xb8;
	[tilespmem:$0x1DC00] =	vst v63  }
0x25: {  	s20 =	simm.s32 $0x0;
	s25 =	simm.s32 $0x2D8  }
0x26: {  	[tilespmem:s26], [sflag:$0x1] =	stream.indirect.gather [hbm4b:s3+s11], $0x40, s25, s11, $0xb8;
	[tilespmem:$0x1DC00] =	vst v63  }
.LBB2_2:
0x27: {  	s21 =	sshll.u32 s20, $0x1;
	p0 =	seq.s32 s20, $0x0  }
0x28: {  	s22 =	simm.s32 @!p0 $0x3;
	s21 =	sor.u32 $0x1, s21  }
0x29: {  	_ =	swait.ge @!p0 [sflag:s22], $0xC800;
	s23 =	smul.u32 $0xD00, s21  }
0x2a: {  	[sflag:s22] =	ssyncset.done @!p0 $0x0  }
0x2b: {  	[sflag:s22] =	ssyncadd.s32 @!p0 $0xFFFF3800;
	s22 =	sshra.s32 s23, $0x2  }
0x2c: {  	[tilespmem:s28], [sflag:$0x2] =	stream.indirect.gather [hbm4b:s3+s11], $0x40, s22, s11, $0xb8;
	[tilespmem:$0x1DC00] =	vst v63  }
0x2d: {  	s23 =	sadd.s32 $0x68, s22  }
0x2e: {  	[tilespmem:s29], [sflag:$0x2] =	stream.indirect.gather [hbm4b:s3+s11], $0x40, s23, s11, $0xb8;
	[tilespmem:$0x1DC00] =	vst v63  }
0x2f: {  	s25 =	sadd.s32 $0xD0, s22  }
0x30: {  	[tilespmem:s30], [sflag:$0x2] =	stream.indirect.gather [hbm4b:s3+s11], $0x40, s25, s11, $0xb8;
	[tilespmem:$0x1DC00] =	vst v63  }
0x31: {  	s24 =	sadd.s32 $0x138, s22  }
0x32: {  	[tilespmem:s31], [sflag:$0x2] =	stream.indirect.gather [hbm4b:s3+s11], $0x40, s24, s11, $0xb8;
	[tilespmem:$0x1DC00] =	vst v63  }
0x33: {  	s25 =	sadd.s32 $0x1A0, s22  }
0x34: {  	[tilespmem:s0], [sflag:$0x2] =	stream.indirect.gather [hbm4b:s3+s11], $0x40, s25, s11, $0xb8;
	[tilespmem:$0x1DC00] =	vst v63  }
0x35: {  	s24 =	sadd.s32 $0x208, s22  }
0x36: {  	[tilespmem:s1], [sflag:$0x2] =	stream.indirect.gather [hbm4b:s3+s11], $0x40, s24, s11, $0xb8;
	[tilespmem:$0x1DC00] =	vst v63  }
0x37: {  	s25 =	sadd.s32 $0x270, s22  }
0x38: {  	[tilespmem:s9], [sflag:$0x2] =	stream.indirect.gather [hbm4b:s3+s11], $0x40, s25, s11, $0xb8;
	[tilespmem:$0x1DC00] =	vst v63  }
0x39: {  	s22 =	sadd.s32 $0x2D8, s22  }
0x3a: {  	[tilespmem:s13], [sflag:$0x2] =	stream.indirect.gather [hbm4b:s3+s11], $0x40, s22, s11, $0xb8;
	[tilespmem:$0x1DC00] =	vst v63  }
0x3b: {  	_ =	swait.ge [sflag:s14], $0x1900  }
0x3c: {  	[sflag:s14] =	ssyncset.done $0x0  }
0x3d: {  	[sflag:s14] =	ssyncadd.s32 $0xFFFFE700  }
0x3e: {  	_ =	swait.ge [sflag:s14], $0x1900  }
0x3f: {  	[sflag:s14] =	ssyncset.done $0x0  }
0x40: {  	[sflag:s14] =	ssyncadd.s32 $0xFFFFE700  }
0x41: {  	_ =	swait.ge [sflag:s14], $0x1900  }
0x42: {  	[sflag:s14] =	ssyncset.done $0x0  }
0x43: {  	[sflag:s14] =	ssyncadd.s32 $0xFFFFE700  }
0x44: {  	_ =	swait.ge [sflag:s14], $0x1900  }
0x45: {  	[sflag:s14] =	ssyncset.done $0x0  }
0x46: {  	[sflag:s14] =	ssyncadd.s32 $0xFFFFE700  }
0x47: {  	_ =	swait.ge [sflag:s14], $0x1900  }
0x48: {  	[sflag:s14] =	ssyncset.done $0x0  }
0x49: {  	[sflag:s14] =	ssyncadd.s32 $0xFFFFE700  }
0x4a: {  	_ =	swait.ge [sflag:s14], $0x1900  }
0x4b: {  	[sflag:s14] =	ssyncset.done $0x0  }
0x4c: {  	[sflag:s14] =	ssyncadd.s32 $0xFFFFE700  }
0x4d: {  	_ =	swait.ge [sflag:s14], $0x1900  }
0x4e: {  	[sflag:s14] =	ssyncset.done $0x0  }
0x4f: {  	[sflag:s14] =	ssyncadd.s32 $0xFFFFE700  }
0x50: {  	_ =	swait.ge [sflag:s14], $0x1900  }
0x51: {  	[sflag:s14] =	ssyncset.done $0x0  }
0x52: {  	s22 =	simm.s32 $0x0;
	[sflag:s14] =	ssyncadd.s32 $0xFFFFE700  }
0x53: {  	v2 =	vld [tilespmem:s22+$0x1AA00]  }
0x54: {  	v6 =	vld [tilespmem:s22+$0x1AA10]  }
0x55: {  	v1 =	vld [tilespmem:s22+$0x1AA20]  }
0x56: {  	v4 =	vld [tilespmem:s22+$0x4C00]  }
0x57: {  	v5 =	vld [tilespmem:s22+$0x7E00]  }
0x58: {  	v3 =	vld [tilespmem:s22+$0x1A00]  }
0x59: {  	v7 =	vld [tilespmem:s22+$0xB000]  }
0x5a: {  	v8 =	vld [tilespmem:s22+$0x1A10]  }
0x5b: {  	v9 =	vld [tilespmem:s22+$0x4C10];
	v4 =	vmul.f32 $8.000000000e+00, v4  }
0x5c: {  	v0 =	vld [tilespmem:s22+$0x1AA30];
	v5 =	vmul.f32 $8.000000000e+00, v5  }
0x5d: {  	v10 =	vld [tilespmem:s22+$0x7E10];
	v3 =	vmul.f32 $8.000000000e+00, v3;
	v4 =	vadd.f32 v4, v2  }
0x5e: {  	v11 =	vld [tilespmem:s22+$0xB010];
	v7 =	vmul.f32 $8.000000000e+00, v7;
	v5 =	vadd.f32 v5, v2  }
0x5f: {  	v12 =	vld [tilespmem:s22+$0x1A20];
	v3 =	vadd.f32 v3, v2;
	[tilespmem:s22+$0x4C00] =	vst v4;
	v4 =	vmul.f32 $8.000000000e+00, v8  }
0x60: {  	v13 =	vld [tilespmem:s22+$0x4C20];
	v7 =	vadd.f32 v7, v2;
	[tilespmem:s22+$0x7E00] =	vst v5;
	v5 =	vmul.f32 $8.000000000e+00, v9  }
0x61: {  	[tilespmem:s22+$0x1A00] =	vst v3;
	v3 =	vld [tilespmem:s22+$0x7E20];
	v8 =	vadd.f32 v4, v6  }
0x62: {  	v2 =	vld [tilespmem:s22+$0xB020];
	[tilespmem:s22+$0xB000] =	vst v7;
	v7 =	vmul.f32 $8.000000000e+00, v10;
	v10 =	vadd.f32 v5, v6  }
0x63: {  	v4 =	vld [tilespmem:s22+$0x1A30];
	[tilespmem:s22+$0x1A10] =	vst v8;
	v8 =	vmul.f32 $8.000000000e+00, v11  }
0x64: {  	v5 =	vld [tilespmem:s22+$0x4C30];
	v9 =	vadd.f32 v7, v6;
	[tilespmem:s22+$0x4C10] =	vst v10;
	v10 =	vmul.f32 $8.000000000e+00, v12  }
0x65: {  	s23 =	simm.s32 $0x100;
	v7 =	vadd.f32 v8, v6;
	v8 =	vmul.f32 $8.000000000e+00, v13;
	v6 =	vld [tilespmem:s22+$0x7E30]  }
.LBB2_3:
0x66: {  	s24 =	sshra.s32 s23, $0x2;
	p0 =	sne.s32 s23, $0xC700;
	[tilespmem:s22+$0x7E10] =	vst v9;
	v9 =	vadd.f32 v10, v1;
	v3 =	vmul.f32 $8.000000000e+00, v3;
	v10 =	vld [tilespmem:s22+$0xB030]  }
0x67: {  	v11 =	vld [tilespmem:s24+$0x1AA00];
	[tilespmem:s22+$0xB010] =	vst v7;
	v7 =	vadd.f32 v8, v1;
	v2 =	vmul.f32 $8.000000000e+00, v2  }
0x68: {  	v8 =	vld [tilespmem:s24+$0x1AA10];
	[tilespmem:s22+$0x1A20] =	vst v9;
	v3 =	vadd.f32 v3, v1;
	v4 =	vmul.f32 $8.000000000e+00, v4  }
0x69: {  	[tilespmem:s22+$0x4C20] =	vst v7;
	v2 =	vadd.f32 v2, v1;
	v1 =	vld [tilespmem:s24+$0x1AA20];
	v5 =	vmul.f32 $8.000000000e+00, v5  }
0x6a: {  	v7 =	vld [tilespmem:s24+$0x1AA30];
	[tilespmem:s22+$0x7E20] =	vst v3;
	v3 =	vadd.f32 v4, v0;
	v4 =	vmul.f32 $8.000000000e+00, v6  }
0x6b: {  	v6 =	vld [tilespmem:s24+$0x1A00];
	[tilespmem:s22+$0xB020] =	vst v2;
	v2 =	vadd.f32 v5, v0;
	v5 =	vmul.f32 $8.000000000e+00, v10  }
0x6c: {  	v9 =	vld [tilespmem:s24+$0x4C00];
	[tilespmem:s22+$0x1A30] =	vst v3;
	v3 =	vadd.f32 v4, v0  }
0x6d: {  	v4 =	vld [tilespmem:s24+$0x7E00];
	[tilespmem:s22+$0x4C30] =	vst v2;
	v5 =	vadd.f32 v5, v0  }
0x6e: {  	v2 =	vld [tilespmem:s24+$0xB000];
	[tilespmem:s22+$0x7E30] =	vst v3  }
0x6f: {  	v3 =	vld [tilespmem:s24+$0x1A10];
	[tilespmem:s22+$0xB030] =	vst v5;
	v0 =	vmov v7;
	s22 =	smov.u32 s24  }
0x70: {  	v5 =	vmul.f32 $8.000000000e+00, v6;
	v6 =	vld [tilespmem:s22+$0x4C10]  }
0x71: {  	v7 =	vmul.f32 $8.000000000e+00, v9;
	v9 =	vld [tilespmem:s22+$0x7E10]  }
0x72: {  	v5 =	vadd.f32 v5, v11;
	v4 =	vmul.f32 $8.000000000e+00, v4;
	v10 =	vld [tilespmem:s22+$0xB010]  }
0x73: {  	v7 =	vadd.f32 v7, v11;
	v2 =	vmul.f32 $8.000000000e+00, v2;
	v12 =	vld [tilespmem:s22+$0x1A20]  }
0x74: {  	[tilespmem:s22+$0x1A00] =	vst v5;
	v4 =	vadd.f32 v4, v11;
	v5 =	vmul.f32 $8.000000000e+00, v3;
	v13 =	vld [tilespmem:s22+$0x4C20]  }
.Ltmp0:
0x75: {  	[tilespmem:s22+$0x4C00] =	vst v7;
	v7 =	vadd.f32 v2, v11;
	v6 =	vmul.f32 $8.000000000e+00, v6;
	v3 =	vld [tilespmem:s22+$0x7E20];
	(pc) =	sbr.rel @p0 .LBB2_3-.Ltmp0, $4  }
0x76: {  	[tilespmem:s22+$0x7E00] =	vst v4;
	v5 =	vadd.f32 v5, v8;
	v9 =	vmul.f32 $8.000000000e+00, v9;
	v2 =	vld [tilespmem:s22+$0xB020]  }
0x77: {  	[tilespmem:s22+$0xB000] =	vst v7;
	v6 =	vadd.f32 v6, v8;
	v7 =	vmul.f32 $8.000000000e+00, v10;
	v4 =	vld [tilespmem:s22+$0x1A30]  }
0x78: {  	[tilespmem:s22+$0x1A10] =	vst v5;
	v9 =	vadd.f32 v9, v8;
	v10 =	vmul.f32 $8.000000000e+00, v12;
	v5 =	vld [tilespmem:s22+$0x4C30]  }
0x79: {  	s23 =	sadd.s32 $0x100, s23;
	[tilespmem:s22+$0x4C10] =	vst v6;
	v7 =	vadd.f32 v7, v8;
	v8 =	vmul.f32 $8.000000000e+00, v13;
	v6 =	vld [tilespmem:s22+$0x7E30]  }
0x7a: {  	[tilespmem:s22+$0x7E10] =	vst v9;
	v9 =	vadd.f32 v10, v1;
	v3 =	vmul.f32 $8.000000000e+00, v3;
	v10 =	vld [tilespmem:s22+$0xB030]  }
0x7b: {  	[tilespmem:s22+$0xB010] =	vst v7;
	v7 =	vadd.f32 v8, v1;
	v2 =	vmul.f32 $8.000000000e+00, v2  }
0x7c: {  	[tilespmem:s22+$0x1A20] =	vst v9;
	v3 =	vadd.f32 v3, v1;
	v4 =	vmul.f32 $8.000000000e+00, v4  }
0x7d: {  	[tilespmem:s22+$0x4C20] =	vst v7;
	v1 =	vadd.f32 v2, v1;
	v2 =	vmul.f32 $8.000000000e+00, v5  }
0x7e: {  	[tilespmem:s22+$0x7E20] =	vst v3;
	v3 =	vadd.f32 v4, v0;
	v4 =	vmul.f32 $8.000000000e+00, v6  }
0x7f: {  	s23 =	sshll.u32 s20, $0x3;
	[tilespmem:s22+$0xB020] =	vst v1;
	v1 =	vadd.f32 v2, v0;
	v2 =	vmul.f32 $8.000000000e+00, v10  }
0x80: {  	s23 =	sadd.s32 s7, s23;
	[tilespmem:s22+$0x1A30] =	vst v3;
	v3 =	vadd.f32 v4, v0  }
0x81: {  	s23 =	smul.u32 $0xC80, s23;
	[tilespmem:s22+$0x4C30] =	vst v1;
	v0 =	vadd.f32 v2, v0  }
0x82: {  	p0 =	seq.s32 s20, $0x3;
	[tilespmem:s22+$0x7E30] =	vst v3  }
0x83: {  	s25 =	sadd.s32 s5, s23;
	[tilespmem:s22+$0xB030] =	vst v0;
	s22 =	smul.u32 @!p0 $0x1A00, s20  }
0x84: {  	[hbm4b:s25+s15] =	stream.strided.scatter [tilespmem:s12], [sflag:$0x3], $0xC800, s16, s15, $0x38;
	[tilespmem:$0x1DC00] =	vst v63  }
0x85: {  	_ =	swait.ge [sflag:s17], $0xC800  }
0x86: {  	s24 =	simm.s32 @!p0 $0x64;
	s22 =	sshra.s32 @!p0 s22, $0x2;
	[sflag:s17] =	ssyncset.done $0x0  }
0x87: {  	s25 =	simm.s32 @!p0 $0x1A00;
	s23 =	sadd.s32 @!p0 $0x680, s22;
	[sflag:s17] =	ssyncadd.s32 $0xFFFF3800  }
0x88: {  	[tilespmem:s25], [sflag:$0x1] =	stream.indirect.gather @!p0 [hbm4b:s3+s24], $0x40, s23, s24, $0xb8;
	[tilespmem:$0x1DC00] =	vst v63  }
0x89: {  	s23 =	sadd.s32 @!p0 $0x6E8, s22;
	s25 =	simm.s32 @!p0 $0x3300  }
0x8a: {  	[tilespmem:s25], [sflag:$0x1] =	stream.indirect.gather @!p0 [hbm4b:s3+s24], $0x40, s23, s24, $0xb8;
	[tilespmem:$0x1DC00] =	vst v63  }
0x8b: {  	s23 =	sadd.s32 @!p0 $0x750, s22;
	s25 =	simm.s32 @!p0 $0x4C00  }
0x8c: {  	[tilespmem:s25], [sflag:$0x1] =	stream.indirect.gather @!p0 [hbm4b:s3+s24], $0x40, s23, s24, $0xb8;
	[tilespmem:$0x1DC00] =	vst v63  }
0x8d: {  	s23 =	sadd.s32 @!p0 $0x7B8, s22;
	s25 =	simm.s32 @!p0 $0x6500  }
0x8e: {  	[tilespmem:s25], [sflag:$0x1] =	stream.indirect.gather @!p0 [hbm4b:s3+s24], $0x40, s23, s24, $0xb8;
	[tilespmem:$0x1DC00] =	vst v63  }
0x8f: {  	s23 =	sadd.s32 @!p0 $0x820, s22;
	s25 =	simm.s32 @!p0 $0x7E00  }
0x90: {  	[tilespmem:s25], [sflag:$0x1] =	stream.indirect.gather @!p0 [hbm4b:s3+s24], $0x40, s23, s24, $0xb8;
	[tilespmem:$0x1DC00] =	vst v63  }
0x91: {  	s23 =	sadd.s32 @!p0 $0x888, s22;
	s25 =	simm.s32 @!p0 $0x9700  }
0x92: {  	[tilespmem:s25], [sflag:$0x1] =	stream.indirect.gather @!p0 [hbm4b:s3+s24], $0x40, s23, s24, $0xb8;
	[tilespmem:$0x1DC00] =	vst v63  }
0x93: {  	s23 =	sadd.s32 @!p0 $0x8F0, s22;
	s25 =	simm.s32 @!p0 $0xB000  }
0x94: {  	[tilespmem:s25], [sflag:$0x1] =	stream.indirect.gather @!p0 [hbm4b:s3+s24], $0x40, s23, s24, $0xb8;
	[tilespmem:$0x1DC00] =	vst v63  }
0x95: {  	s22 =	sadd.s32 @!p0 $0x958, s22;
	s23 =	simm.s32 @!p0 $0xC900  }
0x96: {  	[tilespmem:s23], [sflag:$0x1] =	stream.indirect.gather @!p0 [hbm4b:s3+s24], $0x40, s22, s24, $0xb8;
	[tilespmem:$0x1DC00] =	vst v63  }
0x97: {  	_ =	swait.ge [sflag:s18], $0x1900  }
0x98: {  	[sflag:s18] =	ssyncset.done $0x0  }
0x99: {  	[sflag:s18] =	ssyncadd.s32 $0xFFFFE700  }
0x9a: {  	_ =	swait.ge [sflag:s18], $0x1900  }
0x9b: {  	[sflag:s18] =	ssyncset.done $0x0  }
0x9c: {  	[sflag:s18] =	ssyncadd.s32 $0xFFFFE700  }
0x9d: {  	_ =	swait.ge [sflag:s18], $0x1900  }
0x9e: {  	[sflag:s18] =	ssyncset.done $0x0  }
0x9f: {  	[sflag:s18] =	ssyncadd.s32 $0xFFFFE700  }
0xa0: {  	_ =	swait.ge [sflag:s18], $0x1900  }
0xa1: {  	[sflag:s18] =	ssyncset.done $0x0  }
0xa2: {  	[sflag:s18] =	ssyncadd.s32 $0xFFFFE700  }
0xa3: {  	_ =	swait.ge [sflag:s18], $0x1900  }
0xa4: {  	[sflag:s18] =	ssyncset.done $0x0  }
0xa5: {  	[sflag:s18] =	ssyncadd.s32 $0xFFFFE700  }
0xa6: {  	_ =	swait.ge [sflag:s18], $0x1900  }
0xa7: {  	[sflag:s18] =	ssyncset.done $0x0  }
0xa8: {  	[sflag:s18] =	ssyncadd.s32 $0xFFFFE700  }
0xa9: {  	_ =	swait.ge [sflag:s18], $0x1900  }
0xaa: {  	[sflag:s18] =	ssyncset.done $0x0  }
0xab: {  	[sflag:s18] =	ssyncadd.s32 $0xFFFFE700  }
0xac: {  	_ =	swait.ge [sflag:s18], $0x1900  }
0xad: {  	[sflag:s18] =	ssyncset.done $0x0  }
0xae: {  	s22 =	simm.s32 $0x0;
	[sflag:s18] =	ssyncadd.s32 $0xFFFFE700  }
0xaf: {  	v2 =	vld [tilespmem:s22+$0x1AA00]  }
0xb0: {  	v6 =	vld [tilespmem:s22+$0x1AA10]  }
0xb1: {  	v1 =	vld [tilespmem:s22+$0x1AA20]  }
0xb2: {  	v4 =	vld [tilespmem:s22+$0x11400]  }
0xb3: {  	v5 =	vld [tilespmem:s22+$0x14600]  }
0xb4: {  	v3 =	vld [tilespmem:s22+$0xE200]  }
0xb5: {  	v7 =	vld [tilespmem:s22+$0x17800]  }
0xb6: {  	v8 =	vld [tilespmem:s22+$0xE210]  }
0xb7: {  	v9 =	vld [tilespmem:s22+$0x11410];
	v4 =	vmul.f32 $8.000000000e+00, v4  }
0xb8: {  	v0 =	vld [tilespmem:s22+$0x1AA30];
	v5 =	vmul.f32 $8.000000000e+00, v5  }
0xb9: {  	v10 =	vld [tilespmem:s22+$0x14610];
	v3 =	vmul.f32 $8.000000000e+00, v3;
	v4 =	vadd.f32 v4, v2  }
0xba: {  	v11 =	vld [tilespmem:s22+$0x17810];
	v7 =	vmul.f32 $8.000000000e+00, v7;
	v5 =	vadd.f32 v5, v2  }
0xbb: {  	v12 =	vld [tilespmem:s22+$0xE220];
	v3 =	vadd.f32 v3, v2;
	[tilespmem:s22+$0x11400] =	vst v4;
	v4 =	vmul.f32 $8.000000000e+00, v8  }
0xbc: {  	v13 =	vld [tilespmem:s22+$0x11420];
	v7 =	vadd.f32 v7, v2;
	[tilespmem:s22+$0x14600] =	vst v5;
	v5 =	vmul.f32 $8.000000000e+00, v9  }
0xbd: {  	[tilespmem:s22+$0xE200] =	vst v3;
	v3 =	vld [tilespmem:s22+$0x14620];
	v8 =	vadd.f32 v4, v6  }
0xbe: {  	v2 =	vld [tilespmem:s22+$0x17820];
	[tilespmem:s22+$0x17800] =	vst v7;
	v7 =	vmul.f32 $8.000000000e+00, v10;
	v10 =	vadd.f32 v5, v6  }
0xbf: {  	v4 =	vld [tilespmem:s22+$0xE230];
	[tilespmem:s22+$0xE210] =	vst v8;
	v8 =	vmul.f32 $8.000000000e+00, v11  }
0xc0: {  	v5 =	vld [tilespmem:s22+$0x11430];
	v9 =	vadd.f32 v7, v6;
	[tilespmem:s22+$0x11410] =	vst v10;
	v10 =	vmul.f32 $8.000000000e+00, v12  }
0xc1: {  	s23 =	simm.s32 $0x100;
	v7 =	vadd.f32 v8, v6;
	v8 =	vmul.f32 $8.000000000e+00, v13;
	v6 =	vld [tilespmem:s22+$0x14630]  }
.LBB2_5:
0xc2: {  	s24 =	sshra.s32 s23, $0x2;
	p0 =	sne.s32 s23, $0xC700;
	[tilespmem:s22+$0x14610] =	vst v9;
	v9 =	vadd.f32 v10, v1;
	v3 =	vmul.f32 $8.000000000e+00, v3;
	v10 =	vld [tilespmem:s22+$0x17830]  }
0xc3: {  	v11 =	vld [tilespmem:s24+$0x1AA00];
	[tilespmem:s22+$0x17810] =	vst v7;
	v7 =	vadd.f32 v8, v1;
	v2 =	vmul.f32 $8.000000000e+00, v2  }
0xc4: {  	v8 =	vld [tilespmem:s24+$0x1AA10];
	[tilespmem:s22+$0xE220] =	vst v9;
	v3 =	vadd.f32 v3, v1;
	v4 =	vmul.f32 $8.000000000e+00, v4  }
0xc5: {  	[tilespmem:s22+$0x11420] =	vst v7;
	v2 =	vadd.f32 v2, v1;
	v1 =	vld [tilespmem:s24+$0x1AA20];
	v5 =	vmul.f32 $8.000000000e+00, v5  }
0xc6: {  	v7 =	vld [tilespmem:s24+$0x1AA30];
	[tilespmem:s22+$0x14620] =	vst v3;
	v3 =	vadd.f32 v4, v0;
	v4 =	vmul.f32 $8.000000000e+00, v6  }
0xc7: {  	v6 =	vld [tilespmem:s24+$0xE200];
	[tilespmem:s22+$0x17820] =	vst v2;
	v2 =	vadd.f32 v5, v0;
	v5 =	vmul.f32 $8.000000000e+00, v10  }
0xc8: {  	v9 =	vld [tilespmem:s24+$0x11400];
	[tilespmem:s22+$0xE230] =	vst v3;
	v3 =	vadd.f32 v4, v0  }
0xc9: {  	v4 =	vld [tilespmem:s24+$0x14600];
	[tilespmem:s22+$0x11430] =	vst v2;
	v5 =	vadd.f32 v5, v0  }
0xca: {  	v2 =	vld [tilespmem:s24+$0x17800];
	[tilespmem:s22+$0x14630] =	vst v3  }
0xcb: {  	v3 =	vld [tilespmem:s24+$0xE210];
	[tilespmem:s22+$0x17830] =	vst v5;
	v0 =	vmov v7;
	s22 =	smov.u32 s24  }
0xcc: {  	v5 =	vmul.f32 $8.000000000e+00, v6;
	v6 =	vld [tilespmem:s22+$0x11410]  }
0xcd: {  	v7 =	vmul.f32 $8.000000000e+00, v9;
	v9 =	vld [tilespmem:s22+$0x14610]  }
0xce: {  	v5 =	vadd.f32 v5, v11;
	v4 =	vmul.f32 $8.000000000e+00, v4;
	v10 =	vld [tilespmem:s22+$0x17810]  }
0xcf: {  	v7 =	vadd.f32 v7, v11;
	v2 =	vmul.f32 $8.000000000e+00, v2;
	v12 =	vld [tilespmem:s22+$0xE220]  }
0xd0: {  	[tilespmem:s22+$0xE200] =	vst v5;
	v4 =	vadd.f32 v4, v11;
	v5 =	vmul.f32 $8.000000000e+00, v3;
	v13 =	vld [tilespmem:s22+$0x11420]  }
.Ltmp1:
0xd1: {  	[tilespmem:s22+$0x11400] =	vst v7;
	v7 =	vadd.f32 v2, v11;
	v6 =	vmul.f32 $8.000000000e+00, v6;
	v3 =	vld [tilespmem:s22+$0x14620];
	(pc) =	sbr.rel @p0 .LBB2_5-.Ltmp1, $4  }
0xd2: {  	[tilespmem:s22+$0x14600] =	vst v4;
	v5 =	vadd.f32 v5, v8;
	v9 =	vmul.f32 $8.000000000e+00, v9;
	v2 =	vld [tilespmem:s22+$0x17820]  }
0xd3: {  	[tilespmem:s22+$0x17800] =	vst v7;
	v6 =	vadd.f32 v6, v8;
	v7 =	vmul.f32 $8.000000000e+00, v10;
	v4 =	vld [tilespmem:s22+$0xE230]  }
0xd4: {  	[tilespmem:s22+$0xE210] =	vst v5;
	v9 =	vadd.f32 v9, v8;
	v10 =	vmul.f32 $8.000000000e+00, v12;
	v5 =	vld [tilespmem:s22+$0x11430]  }
0xd5: {  	s23 =	sadd.s32 $0x100, s23;
	[tilespmem:s22+$0x11410] =	vst v6;
	v7 =	vadd.f32 v7, v8;
	v8 =	vmul.f32 $8.000000000e+00, v13;
	v6 =	vld [tilespmem:s22+$0x14630]  }
0xd6: {  	[tilespmem:s22+$0x14610] =	vst v9;
	v53 =	vadd.f32 v10, v1;
	v3 =	vmul.f32 $8.000000000e+00, v3;
	v54 =	vld [tilespmem:s22+$0x17830]  }
0xd7: {  	[tilespmem:s22+$0x17810] =	vst v7;
	v55 =	vadd.f32 v8, v1;
	v2 =	vmul.f32 $8.000000000e+00, v2  }
0xd8: {  	[tilespmem:s22+$0xE220] =	vst v53;
	v3 =	vadd.f32 v3, v1;
	v4 =	vmul.f32 $8.000000000e+00, v4  }
0xd9: {  	[tilespmem:s22+$0x11420] =	vst v55;
	v56 =	vadd.f32 v2, v1;
	v57 =	vmul.f32 $8.000000000e+00, v5  }
0xda: {  	s20 =	sadd.s32 $0x1, s20;
	[tilespmem:s22+$0x14620] =	vst v3;
	v58 =	vadd.f32 v4, v0;
	v59 =	vmul.f32 $8.000000000e+00, v6  }
0xdb: {  	s21 =	sshll.u32 s21, $0x2;
	p0 =	sne.s32 s20, $0x4;
	[tilespmem:s22+$0x17820] =	vst v56;
	v60 =	vadd.f32 v57, v0;
	v61 =	vmul.f32 $8.000000000e+00, v54  }
.Ltmp2:
0xdc: {  	s21 =	sadd.s32 s7, s21;
	[tilespmem:s22+$0xE230] =	vst v58;
	v62 =	vadd.f32 v59, v0;
	(pc) =	sbr.rel @p0 .LBB2_2-.Ltmp2, $4  }
0xdd: {  	s21 =	smul.u32 $0xC80, s21;
	[tilespmem:s22+$0x11430] =	vst v60;
	v63 =	vadd.f32 v61, v0  }
0xde: {  	[tilespmem:s22+$0x14630] =	vst v62  }
0xdf: {  	s21 =	sadd.s32 s5, s21;
	[tilespmem:s22+$0x17830] =	vst v63  }
0xe0: {  	[hbm4b:s21+s15] =	stream.strided.scatter [tilespmem:s28], [sflag:$0x3], $0xC800, s16, s15, $0x38;
	[tilespmem:$0x1DC00] =	vst v63  }
0xe1: {  	s19 =	sadd.s32 $0x1, s19  }
0xe2: {  	p0 =	sne.s32 s19, s8  }
.Ltmp3:
0xe3: {  	_ = 	snop;
	(pc) =	sbr.rel @p0 .LBB2_1-.Ltmp3, $4  }
0xe4: {  	_ = 	snop  }
0xe5: {  	_ =	swait.ge [sflag:s17], $0xC800  }
0xe6: {  	[sflag:s17] =	ssyncset.done $0x0  }
0xe7: {  	[sflag:s17] =	ssyncadd.s32 $0xFFFF3800  }
0xe8: {  	_ =	sfence.sel $0x180000  }
0xe9: {  	[bflag:$0x0] =	sbarrier.arrive $0xFFFF  }
0xea: {  	_ =	strace $0x90000047  }
0xeb: {  	s0 =	stileid.u32;
	[bflag:$0x2] =	sbarrier.arrive $0xFFFF  }
0xec: {  	p0 =	sne.s32 s0, $0x0;
	s0 =	rddreg [dreg:$0x2]  }
0xed: {  	s0 =	sadd.s32 @!p0 $0x100000, s0  }
0xee: {  	[sflag:s0] =	ssyncadd.tile.s32 @!p0 $0x1;
	_ =	shalt  }
.Lfunc_end2:
_tile_overlayer_lowered:
.L_overlay_start_2:
0xef: {  	(tag) =	ssettag $0x2  }
0xf0: {  	s0 =	rddreg [dreg:$0x0];
	s2 =	stileid.u32  }
0xf1: {  	s1 =	rddreg [dreg:$0x1];
	p0 =	sne.s32 s2, $0x0  }
0xf2: {  	s3 =	rddreg [dreg:$0x2];
	[bflag:$0x3] =	sbarrier.arrive $0xFFFF;
	s2 =	simm.s32 @!p0 $0x1C04  }
0xf3: {  	[timem:s3], [sflag:s2] =	dma.local @!p0 [hbm:s0], s1  }
0xf4: {  	s0 =	simm.s32 @!p0 $0x4  }
0xf5: {  	_ =	swait.ge @!p0 [sflag:s0], s1  }
0xf6: {  	s1 =	ssub.s32 @!p0 $0x0, s1;
	[sflag:s0] =	ssyncset.done @!p0 $0x0  }
0xf7: {  	[sflag:s0] =	ssyncadd.s32 @!p0 s1  }
0xf8: {  	[bflag:$0x3] =	sbarrier.arrive $0xFFFF  }
0xf9: {  	_ =	shalt  }

// kernel: sparse-core-data-format-call.cloned.1.call-start
scs
called_computation_lowered:
.L_overlay_start_0:
0x0: {  	s2 =	sld [smem:$0x3FD9]  }
0x1: {  	s3 =	sld [smem:$0x3FFE];
	_ =	sdelay $0x1  }
0x2: {  	s1 =	srdreg.scid  }
0x3: {  	s0 =	sand.u32 $0x1, s1  }
0x4: {  	s18 =	sshll.u32 s0, $0xA;
	s2 =	sadd.s32 s3, s2  }
0x5: {  	s2 =	sadd.s32 s2, s18  }
0x6: {  	[smem:$0x3FC6] =	sst s2  }
0x7: {  	_ = 	snop  }
0x8: {  	s2 =	sld [smem:$0x3FD0];
	(tm) =	ssettm $0x1  }
0x9: {  	s19 =	sld [smem:$0x3FFB];
	_ =	sdelay $0x3  }
0xa: {  	_ =	strace s19  }
0xb: {  	s3 =	sld [smem:$0x3FFC];
	_ =	sdelay $0x3  }
0xc: {  	_ =	strace s3  }
0xd: {  	s3 =	sld [smem:$0x3FFD];
	_ =	sdelay $0x3  }
0xe: {  	_ =	strace s3  }
0xf: {  	_ =	strace $0x8FFFFFFF  }
0x10: {  	s20 =	sld [smem:$0x3FDB];
	_ =	sdelay $0x1  }
0x11: {  	s4 =	simm.s32 $_scs_section_size  }
0x12: {  	s5 =	simm.s32 $_size__tile_overlayer_lowered;
	s6 =	simm.s32 $_tile_overlayer_lowered  }
0x13: {  	s23 =	simm.s32 $0x1BFF;
	s22 =	sshll.u32 s6, $0x1;
	s3 =	sadd.s32 s4, s20  }
0x14: {  	s7 =	simm.s32 $0x0;
	s21 =	sshll.u32 s5, $0x1;
	s5 =	sadd.s32 s22, s3  }
0x15: {  	[timem:s7], [sflag:s23] =	dma.local [hbm:s5], s21  }
0x16: {  	_ =	swait.ge [sflag:s23], s21  }
0x17: {  	s4 =	ssub.s32 $0x0, s21;
	[sflag:s23] =	ssyncset.done $0x0  }
0x18: {  	[sflag:s23] =	ssyncadd.s32 s4;
	_ =	sdelay $0x1  }
0x19: {  	s24 =	simm.s32 $0x1B8B  }
0x1a: {  	_ =	swait.ge [sflag:s24], $0x1  }
0x1b: {  	[sflag:s24] =	ssyncset.done $0x0  }
0x1c: {  	s26 =	simm.s32 $0x1B8E;
	s25 =	sld [smem:$0x3FFE];
	[sflag:s24] =	ssyncadd.s32 $0xFFFFFFFF  }
0x1d: {  	s27 =	simm.s32 $execute0_lowered;
	[smem:$0x3FD2] =	sst s26  }
0x1e: {  	s5 =	sshll.u32 s27, $0x1;
	_ =	strace $0x80000049;
	[dreg:$0x1] =	wrdreg $0xFFFFFFFF  }
0x1f: {  	s28 =	simm.s32 $_size_execute0_lowered;
	s3 =	sadd.s32 s3, s5;
	[dreg:$0x0] =	wrdreg $0x0  }
0x20: {  	s5 =	sshll.u32 s28, $0x1;
	[dreg:$0x2] =	wrdreg s3  }
0x21: {  	[dreg:$0x3] =	wrdreg s5  }
0x22: {  	[dreg:$0x4] =	wrdreg $0xC0  }
0x23: {  	_ =	task [dreg:s7], $0x5FFFF  }
0x24: {  	[dreg:$0x1] =	wrdreg $0xFFFFFFFF  }
0x25: {  	[dreg:$0x0] =	wrdreg $0x60  }
0x26: {  	[dreg:$0x2] =	wrdreg s25  }
0x27: {  	[dreg:$0x3] =	wrdreg s2  }
0x28: {  	[dreg:$0x4] =	wrdreg $0x9  }
0x29: {  	_ =	task.clear_ibuf [dreg:s7], $0x5FFFF;
	_ =	strace $0x90000049  }
0x2a: {  	s29 =	simm.s32 $0x9;
	_ =	strace $0x8000004B  }
0x2b: {  	_ =	swait.ge [sflag:s29], $0x1  }
0x2c: {  	[sflag:s29] =	ssyncadd.s32 $0xFFFFFFFF  }
0x2d: {  	_ =	strace $0x9000004B  }
0x2e: {  	_ =	sfence  }
0x2f: {  	s30 =	sld [smem:$0x0];
	_ =	sdelay $0x2  }
0x30: {  	s31 =	sshll.u32 s1, $0xD;
	s1 =	sshrl.u32 s1, $0x2  }
0x31: {  	s3 =	sand.u32 $0x4000, s31;
	s1 =	sadd.s32 s1, s30  }
0x32: {  	s0 =	sor.u32 s3, s0;
	s1 =	sshll.u32 s1, $0x11  }
0x33: {  	s0 =	sor.u32 s1, s0  }
0x34: {  	s0 =	sadd.s32 $0x8F2B, s0  }
0x35: {  	[sflag:s0] =	ssyncadd.remote.s32 $0x1  }
0x36: {  	_ =	sfence.sel $0xFFFF  }
0x37: {  	[dreg:$0x0] =	wrdreg $0xFFFFFFFF;
	(pc) =	sbr.abs _section_cstart, $3  }
0x38: {  	[dreg:$0x1] =	wrdreg $0xFFFFFFFF  }
0x39: {  	_ =	task.clear_ibuf [dreg:s7], $0x2FFFF;
	_ =	strace $0x9FFFFFFF  }
0x3a: {  	(tm) =	ssettm $0x7FFFFFFF  }
0x3b: {  	_ =	shalt  }
tec
execute0_lowered:
.L_overlay_start_1:
0x0: {  	(tag) =	ssettag $0x1  }
0x1: {  	s0 =	stileid.u32;
	s6 =	rddreg [dreg:$0x0]  }
0x2: {  	s2 =	rddreg [dreg:$0x1];
	s5 =	srdreg.scid  }
0x3: {  	s31 =	simm.s32 $0x2;
	s13 =	simm.s32 $0x0;
	s1 =	sshll.u32 s0, $0x7  }
0x4: {  	s14 =	simm.s32 $0x0;
	s12 =	simm.s32 $0x0;
	s3 =	sand.u32 $0x380, s1  }
0x5: {  	s5 =	sshll.u32 s5, $0x4;
	s6 =	sadd.s32 $0xC00, s6;
	s4 =	ssub.s32 $0x400, s3  }
0x6: {  	s1 =	rddreg [dreg:$0x2];
	_ =	strace $0x8000004A;
	s7 =	sand.u32 $0x380, s4  }
0x7: {  	s5 =	sand.u32 $0x10, s5;
	p0 =	sne.s32 s7, $0x0;
	s7 =	simm.s32 $0x1  }
.Ltmp0:
0x8: {  	s8 =	sshrl.u32 s4, $0xA;
	s7 =	simm.s32 @!p0 $0x0;
	(pc) =	sbr.rel .LBB1_1-.Ltmp0, $4  }
0x9: {  	s9 =	sor.u32 s0, s5;
	s4 =	simm.s32 $0x1;
	s30 =	sadd.s32 s7, s8  }
0xa: {  	s11 =	smov.u32 s3;
	[sflag:s4] =	ssyncpa.u1 $0x0;
	s5 =	smul.u32 $0x32, s30  }
0xb: {  	[sflag:s31] =	ssyncpa.u1 $0x0;
	p0 =	por $0x0, $0x0;
	s7 =	sshrl.u32 s9, $0x3  }
0xc: {  	s9 =	simm.s32 $0x2000;
	s10 =	smov.u32 s7;
	s8 =	sor.u32 $0x1, s5  }
.LBB1_4:
0xd: {  	s17 =	sand.u32 $0x1F80, s14;
	s13 =	sshll.u32 s13, $0xD  }
0xe: {  	[tilespmem:s16+$0x810 ss:$0x81] =	vst.msk $0xffff, v2;
	s18 =	sshrl.u32 s14, $0x3;
	s31 =	sand.u32 $0x7, s14;
	s17 =	sadd.s32 s2, s17  }
0xf: {  	[tilespmem:s16+$0x1020 ss:$0x81] =	vst.msk $0xffff, v0;
	s18 =	sand.u32 $0xF, s18;
	s14 =	sshll.u32 s31, $0x12;
	s13 =	sadd.s32 s13, s17  }
0x10: {  	[tilespmem:s16+$0x0 ss:$0x81] =	vst.msk $0xffff, v1;
	s14 =	sor.u32 $0x400, s14;
	s13 =	sadd.s32 s18, s13  }
0x11: {  	[hbm4b:s13+s14] =	stream.strided.scatter [tilespmem:s15], [sflag:$0x2], $0x2000, s9, s14, $0x20;
	[tilespmem:$0x8080] =	vst v63  }
.LBB1_5:
0x12: {  	s15 =	sadd.s32 $0x4, s10  }
0x13: {  	s13 =	sadd.s32 $0x400, s11;
	s17 =	smov.u32 s11;
	p2 =	sgt.s32 s15, $0xC7  }
0x14: {  	s17 =	smov.u32 @p2 s13  }
0x15: {  	s15 =	smov.u32 @p2 s7;
	p2 =	sgt.s32 s17, $0x3FF  }
0x16: {  	s17 =	smov.u32 @p2 s3;
	p2 =	sne.s32 s12, s8  }
.Ltmp1:
0x17: {  	p1 =	slt.u32 s12, $0x2;
	(pc) =	sbr.rel @!p2 .LBB1_6-.Ltmp1, $4  }
0x18: {  	s16 =	simm.s32 @!p1 $0x2  }
0x19: {  	s14 =	smov.u32 s11;
	p0 =	por !p0, !p0;
	_ =	swait.ge @!p1 [sflag:s16], $0x2000  }
0x1a: {  	s13 =	smov.u32 s10;
	[sflag:s16] =	ssyncset.done @!p1 $0x0;
	s10 =	smov.u32 s15  }
0x1b: {  	s12 =	sadd.s32 $0x1, s12;
	[sflag:s16] =	ssyncadd.s32 @!p1 $0xFFFFE000;
	s11 =	smov.u32 s17  }
.LBB1_1:
0x1c: {  	p1 =	sge.u32 s12, s5  }
0x1d: {  	s15 =	sand.u32 @!p1 $0x1FFFFFF, s10  }
0x1e: {  	s16 =	smulhi.u32 @!p1 $0x147AE15, s15;
	_ =	sdelay $0x1  }
0x1f: {  	s16 =	smul.u32 @!p1 $0xC8, s16  }
0x20: {  	s17 =	sxor.u32 @!p1 $0xFFFFFFFF, s12;
	s18 =	smul.u32 @!p1 $0xC80, s11  }
0x21: {  	s31 =	sadd.s32 $0xFFFFFFFF, s12;
	s17 =	sshll.u32 @!p1 s17, $0xD;
	s15 =	ssub.s32 @!p1 s15, s16  }
0x22: {  	s16 =	sand.u32 @!p1 $0x2000, s17;
	s17 =	sadd.s32 @!p1 s6, s18;
	s15 =	sshll.u32 @!p1 s15, $0x4  }
0x23: {  	s18 =	simm.s32 @!p1 $0x6400;
	s15 =	sadd.s32 @!p1 s15, s17;
	s17 =	simm.s32 @!p1 $0x40  }
0x24: {  	[tilespmem:s16], [sflag:$0x1] =	stream.strided.gather @!p1 [hbm4b:s15+s17], $0x2000, s18, s17, $0x38;
	[tilespmem:$0x8080] =	vst v63  }
0x25: {  	p1 =	sge.u32 s31, s5  }
.Ltmp2:
0x26: {  	_ = 	snop;
	(pc) =	sbr.rel @p1 .LBB1_5-.Ltmp2, $1  }
0x27: {  	_ =	sdelay $0x3  }
0x28: {  	s15 =	simm.s32 $0x1  }
0x29: {  	_ =	swait.ge [sflag:s4], $0x2000;
	s15 =	simm.s32 @!p0 $0x0  }
0x2a: {  	[sflag:s4] =	ssyncset.done $0x0;
	s16 =	sshll.u32 s15, $0xD  }
0x2b: {  	[sflag:s4] =	ssyncadd.s32 $0xFFFFE000;
	s19 =	sor.u32 $0x20, s16  }
0x2c: {  	s15 =	smul.u32 $0x8100, s15;
	v3 =	vld [tilespmem:s19+$0x10]  }
0x2d: {  	s30 =	sand.u32 $0x1, s12;
	v2 =	vld [tilespmem:s19+$0xFFFFFFF0]  }
0x2e: {  	s16 =	smul.u32 $0x8100, s30;
	s15 =	sshrl.u32 s15, $0x2;
	v0 =	vld [tilespmem:s19+$0x0]  }
0x2f: {  	v1 =	vld [tilespmem:s19+$0xFFFFFFE0];
	s17 =	sor.u32 $0x4000, s15  }
0x30: {  	s31 =	sshrl.u32 s16, $0x2;
	s16 =	sadd.s32 $0x0, s17  }
0x31: {  	s18 =	simm.s32 $0x4;
	s19 =	sadd.s32 $0x40, s19;
	s15 =	sor.u32 $0x4000, s31;
	[tilespmem:s16+$0x1830 ss:$0x81] =	vst.msk $0xffff, v3  }
.LBB1_3:
0x32: {  	v3 =	vld [tilespmem:s19+$0x10];
	p1 =	sne.s32 s18, $0x1FC;
	[tilespmem:s16+$0x810 ss:$0x81] =	vst.msk $0xffff, v2;
	s20 =	smov.u32 s18;
	s18 =	sadd.s32 $0x4, s18  }
.Ltmp3:
0x33: {  	v2 =	vld [tilespmem:s19+$0xFFFFFFF0];
	[tilespmem:s16+$0x1020 ss:$0x81] =	vst.msk $0xffff, v0;
	(pc) =	sbr.rel @p1 .LBB1_3-.Ltmp3, $4  }
0x34: {  	v0 =	vld [tilespmem:s19+$0x0];
	[tilespmem:s16+$0x0 ss:$0x81] =	vst.msk $0xffff, v1  }
0x35: {  	s16 =	sshra.s32 s20, $0x2;
	v1 =	vld [tilespmem:s19+$0xFFFFFFE0]  }
0x36: {  	s16 =	sadd.s32 s16, s17  }
0x37: {  	s19 =	sadd.s32 $0x40, s19;
	[tilespmem:s16+$0x1830 ss:$0x81] =	vst.msk $0xffff, v3  }
.Ltmp4:
0x38: {  	_ = 	snop;
	(pc) =	sbr.rel .LBB1_4-.Ltmp4, $1  }
0x39: {  	_ =	sdelay $0x3  }
.LBB1_6:
0x3a: {  	_ =	sfence.sel $0x180000  }
0x3b: {  	s2 =	simm.s32 $0x1;
	[bflag:$0x0] =	sbarrier.arrive $0xFFFF  }
0x3c: {  	s31 =	simm.s32 $0x2;
	[sflag:s2] =	ssyncpa.u1 $0x1  }
0x3d: {  	[sflag:s31] =	ssyncpa.u1 $0x1  }
0x3e: {  	p0 =	sne.s32 s0, $0x0;
	_ =	strace $0x9000004A  }
0x3f: {  	s0 =	sadd.s32 @!p0 $0x100000, s1;
	[bflag:$0x2] =	sbarrier.arrive $0xFFFF  }
0x40: {  	[sflag:s0] =	ssyncadd.tile.s32 @!p0 $0x1;
	_ =	shalt  }
.Lfunc_end1:
_tile_overlayer_lowered:
.L_overlay_start_2:
0x41: {  	(tag) =	ssettag $0x2  }
0x42: {  	s0 =	rddreg [dreg:$0x0];
	s2 =	stileid.u32  }
0x43: {  	s1 =	rddreg [dreg:$0x1];
	p0 =	sne.s32 s2, $0x0  }
0x44: {  	s3 =	rddreg [dreg:$0x2];
	[bflag:$0x3] =	sbarrier.arrive $0xFFFF;
	s2 =	simm.s32 @!p0 $0x1C01  }
0x45: {  	[timem:s3], [sflag:s2] =	dma.local @!p0 [hbm:s0], s1  }
0x46: {  	s0 =	simm.s32 @!p0 $0x1  }
0x47: {  	_ =	swait.ge @!p0 [sflag:s0], s1  }
0x48: {  	s1 =	ssub.s32 @!p0 $0x0, s1;
	[sflag:s0] =	ssyncset.done @!p0 $0x0  }
0x49: {  	[sflag:s0] =	ssyncadd.s32 @!p0 s1  }
0x4a: {  	[bflag:$0x3] =	sbarrier.arrive $0xFFFF  }
0x4b: {  	_ =	shalt  }

</sc_bundles>
